<compile_context>
chip_gen: v7x
topology: tpu7x:2x2x1
jax: 0.10.2.dev20260603
libtpu: 0.0.44.dev20260713+nightly
codegen_flags: <defaults>
</compile_context>

<pallas_src>
import functools

import jax
import jax.numpy as jnp
from jax import lax
from jax.experimental import pallas as pl
from jax.experimental.pallas import tpu as pltpu
from jax.experimental.pallas import tpu_sc as plsc

NC = 2
NS = 16
NW = NC * NS
BCHUNK = 128


def _sc_gather(proj, idx_t):
    hist, bsz = idx_t.shape
    e = proj.shape[1]
    assert bsz == NW * BCHUNK
    n_chunks = hist
    mesh = plsc.VectorSubcoreMesh(core_axis_name="c", subcore_axis_name="s")
    nbuf = 7
    n_groups = (n_chunks + nbuf - 1) // nbuf
    assert n_chunks >= nbuf

    @functools.partial(
        pl.kernel,
        mesh=mesh,
        out_type=jax.ShapeDtypeStruct((hist, bsz, e), jnp.float32),
        scratch_types=[
            pltpu.VMEM((n_chunks, BCHUNK), jnp.int32),
            pltpu.VMEM((nbuf, BCHUNK, e), jnp.float32),
        ]
        + [pltpu.SemaphoreType.DMA] * (2 * nbuf),
    )
    def k(idx_hbm, proj_hbm, out_hbm, idx_v, rows_v, *sems):
        gsems, osems = sems[:nbuf], sems[nbuf:]
        wid = lax.axis_index("c") * NS + lax.axis_index("s")
        base = wid * BCHUNK
        pltpu.sync_copy(idx_hbm.at[:, pl.ds(base, BCHUNK)], idx_v)

        def gather(j, b):
            pltpu.async_copy(proj_hbm.at[idx_v.at[j]], rows_v.at[b], gsems[b])

        def gather_wait(j, b):
            pltpu.make_async_copy(
                proj_hbm.at[idx_v.at[j]], rows_v.at[b], gsems[b]
            ).wait()

        def out_start(j, b):
            pltpu.async_copy(
                rows_v.at[b], out_hbm.at[j, pl.ds(base, BCHUNK)], osems[b]
            )

        def out_wait(j, b):
            pltpu.make_async_copy(
                rows_v.at[b], out_hbm.at[j, pl.ds(base, BCHUNK)], osems[b]
            ).wait()

        for b in range(nbuf):
            gather(b, b)

        def group(g, carry):
            for b in range(nbuf):
                j = g * nbuf + b

                @pl.when(j < n_chunks)
                def _():
                    gather_wait(j, b)
                    out_start(j, b)

                    @pl.when(j + nbuf < n_chunks)
                    def _():
                        out_wait(j, b)
                        gather(j + nbuf, b)

            return carry

        lax.fori_loop(0, n_groups, group, 0)
        for j in range(n_chunks - nbuf, n_chunks):
            out_wait(j, j % nbuf)

    return k


def _tc_project(table_t, wt):
    d, v = table_t.shape
    e = wt.shape[1]
    bv = 16384
    grid = (v + bv - 1) // bv

    def mm(t_ref, wt_ref, out_ref):
        out_ref[...] = jax.lax.dot_general(
            t_ref[...],
            wt_ref[...],
            dimension_numbers=(((0,), (0,)), ((), ())),
            preferred_element_type=jnp.float32,
        )

    return pl.pallas_call(
        mm,
        grid=(grid,),
        in_specs=[
            pl.BlockSpec((d, bv), lambda i: (0, i)),
            pl.BlockSpec((d, e), lambda i: (0, 0)),
        ],
        out_specs=pl.BlockSpec((bv, e), lambda i: (i, 0)),
        out_shape=jax.ShapeDtypeStruct((v, e), jnp.float32),
        compiler_params=pltpu.CompilerParams(
            dimension_semantics=("arbitrary",),
        ),
    )(table_t, wt)


def kernel(indices, table, W):
    proj = _tc_project(table.T, W.T)
    out_t = _sc_gather(proj, indices.T)(indices.T.astype(jnp.int32), proj)
    return out_t.transpose(1, 0, 2)

# --- scband reference (transcript-rebuilt; emitter-appended) ---
"""Pipeline reference for scband-bin-embedding-82643760710185 (READ-ONLY COPY).

The authoritative reference and input builder live on the scoring server;
editing this copy changes nothing except your own understanding.
"""

import jax, jax.numpy as jnp
import numpy as np

VOCAB = 100000
BOTTLENECK = 64
EMBED_DIM = 128
BATCH = 4096
HIST = 50
PAD_IDX = 0

def setup_inputs(seed: int = 0) -> dict:
    key = jax.random.key(seed)
    k1, k2, k3 = jax.random.split(key, 3)
    indices = jax.random.randint(k1, (BATCH, HIST), 0, VOCAB, dtype=jnp.int64 if jax.config.jax_enable_x64 else jnp.int32)
    table = jax.random.normal(k2, (VOCAB, BOTTLENECK), dtype=jnp.float32) * 0.02
    # padding_idx row zeroed, matching nn.Embedding(padding_idx=PAD_IDX)
    table = table.at[PAD_IDX].set(0.0)
    # nn.Linear(bottleneck, embed, bias=False): weight shape [embed, bottleneck]
    W = jax.random.normal(k3, (EMBED_DIM, BOTTLENECK), dtype=jnp.float32) * (1.0 / np.sqrt(BOTTLENECK))
    return {"indices": indices, "table": table, "W": W}

def reference(indices, table, W):
    # embedding lookup (gather)
    emb = jnp.take(table, indices, axis=0)          # [B, L, bottleneck]
    # projection: x @ W.T (torch Linear convention)
    out = jnp.einsum('bld,ed->ble', emb, W)          # [B, L, embed]
    return out

if __name__ == "__main__":
    import jax
    _d = setup_inputs()
    print(jax.jit(kernel)(*tuple(_d.values())))

</pallas_src>

<mosaic_0001>
#map = affine_map<(d0, d1) -> (0, 0)>
#map1 = affine_map<(d0, d1) -> (0, 0, 0)>
module attributes {stable_mosaic.version = 14 : i64} {
  func.func @k(%arg0: i32, %arg1: i32, %arg2: memref<50x4096xi32, #tpu.memory_space<hbm>>, %arg3: memref<100000x128xf32, #tpu.memory_space<hbm>>, %arg4: memref<50x4096x128xf32, #tpu.memory_space<hbm>>, %arg5: memref<50x128xi32, #tpu.memory_space<vmem>>, %arg6: memref<7x128x128xf32, #tpu.memory_space<vmem>>, %arg7: memref<!tpu.dma_semaphore, #tpu.memory_space<semaphore_mem>>, %arg8: memref<!tpu.dma_semaphore, #tpu.memory_space<semaphore_mem>>, %arg9: memref<!tpu.dma_semaphore, #tpu.memory_space<semaphore_mem>>, %arg10: memref<!tpu.dma_semaphore, #tpu.memory_space<semaphore_mem>>, %arg11: memref<!tpu.dma_semaphore, #tpu.memory_space<semaphore_mem>>, %arg12: memref<!tpu.dma_semaphore, #tpu.memory_space<semaphore_mem>>, %arg13: memref<!tpu.dma_semaphore, #tpu.memory_space<semaphore_mem>>, %arg14: memref<!tpu.dma_semaphore, #tpu.memory_space<semaphore_mem>>, %arg15: memref<!tpu.dma_semaphore, #tpu.memory_space<semaphore_mem>>, %arg16: memref<!tpu.dma_semaphore, #tpu.memory_space<semaphore_mem>>, %arg17: memref<!tpu.dma_semaphore, #tpu.memory_space<semaphore_mem>>, %arg18: memref<!tpu.dma_semaphore, #tpu.memory_space<semaphore_mem>>, %arg19: memref<!tpu.dma_semaphore, #tpu.memory_space<semaphore_mem>>, %arg20: memref<!tpu.dma_semaphore, #tpu.memory_space<semaphore_mem>>) attributes {dimension_semantics = [#tpu.dimension_semantics<core_parallel>, #tpu.dimension_semantics<subcore_parallel>], iteration_bounds = array<i64: 2, 16>, scalar_prefetch = 0 : i64, scratch_operands = 16 : i64, tpu.core_type = #tpu.core_type<sc_vector_subcore>, window_params = [{transform_indices = #map}, {transform_indices = #map}, {transform_indices = #map1}]} {
    %mul3A = arith.constant 16 : i32
    %mul3A_0 = arith.muli %arg0, %mul3A : i32
    %add3A = arith.addi %mul3A_0, %arg1 : i32
    %mul3A_1 = arith.constant 128 : i32
    %mul3A_2 = arith.muli %add3A, %mul3A_1 : i32
    "tpu.region"() ({
      %run_scoped3A = tpu.sem_alloc : memref<!tpu.dma_semaphore, #tpu.memory_space<semaphore_mem>>
      %dma_start3A_202 = arith.constant 0 : i32
      %dma_start3A_203 = tpu.memref_slice %arg2[%dma_start3A_202, %mul3A_2] : memref<50x4096xi32, #tpu.memory_space<hbm>> -> memref<50x128xi32, #tpu.memory_space<hbm>>
      %dma_start3A_204 = arith.constant 0 : i32
      %dma_start3A_205 = tpu.memref_slice %arg2[%dma_start3A_204, %mul3A_2] : memref<50x4096xi32, #tpu.memory_space<hbm>> -> memref<50x128xi32, #tpu.memory_space<hbm>>
      tpu.enqueue_dma source(%dma_start3A_205 : memref<50x128xi32, #tpu.memory_space<hbm>>) target(%arg5 : memref<50x128xi32, #tpu.memory_space<vmem>>) target_semaphore(%run_scoped3A : memref<!tpu.dma_semaphore, #tpu.memory_space<semaphore_mem>>)
      %dma_wait3A_206 = arith.constant 0 : i32
      %dma_wait3A_207 = tpu.memref_slice %arg2[%dma_wait3A_206, %mul3A_2] : memref<50x4096xi32, #tpu.memory_space<hbm>> -> memref<50x128xi32, #tpu.memory_space<hbm>>
      %dma_wait3A_208 = arith.constant 0 : i32
      %dma_wait3A_209 = tpu.memref_slice %arg2[%dma_wait3A_208, %mul3A_2] : memref<50x4096xi32, #tpu.memory_space<hbm>> -> memref<50x128xi32, #tpu.memory_space<hbm>>
      tpu.wait_dma2 semaphore(%run_scoped3A : memref<!tpu.dma_semaphore, #tpu.memory_space<semaphore_mem>>) src(%dma_wait3A_209 : memref<50x128xi32, #tpu.memory_space<hbm>>) dst(%arg5 : memref<50x128xi32, #tpu.memory_space<vmem>>)
      tpu.yield
    }) : () -> ()
    %dma_start3A = arith.constant 0 : i32
    %dma_start3A_3 = arith.constant 0 : i32
    %dma_start3A_4 = arith.constant 0 : i32
    %dma_start3A_5 = arith.constant 0 : i32
    %dma_start3A_6 = tpu.memref_slice %arg6[%dma_start3A_3, %dma_start3A_4, %dma_start3A_5] : memref<7x128x128xf32, #tpu.memory_space<vmem>> -> memref<1x128x128xf32, #tpu.memory_space<vmem>>
    %dma_start3A_7 = tpu.memref_squeeze %dma_start3A_6 : memref<1x128x128xf32, #tpu.memory_space<vmem>> -> memref<128x128xf32, #tpu.memory_space<vmem>>
    %dma_start3A_8 = arith.constant 0 : i32
    %dma_start3A_9 = tpu.memref_slice %arg5[%dma_start3A, %dma_start3A_8] : memref<50x128xi32, #tpu.memory_space<vmem>> -> memref<1x128xi32, #tpu.memory_space<vmem>>
    %dma_start3A_10 = tpu.memref_squeeze %dma_start3A_9 : memref<1x128xi32, #tpu.memory_space<vmem>> -> memref<128xi32, #tpu.memory_space<vmem>>
    %dma_start3A_11 = arith.constant 0 : i32
    %dma_start3A_12 = arith.constant 0 : i32
    %dma_start3A_13 = tpu.memref_slice %arg3[%dma_start3A_11, %dma_start3A_12] : memref<100000x128xf32, #tpu.memory_space<hbm>> -> memref<100000x128xf32, #tpu.memory_space<hbm>>
    tpu.enqueue_indirect_dma source(%dma_start3A_13 : memref<100000x128xf32, #tpu.memory_space<hbm>>) target(%dma_start3A_7 : memref<128x128xf32, #tpu.memory_space<vmem>>) offsets(%dma_start3A_10 : memref<128xi32, #tpu.memory_space<vmem>>) semaphore(%arg7 : memref<!tpu.dma_semaphore, #tpu.memory_space<semaphore_mem>>)
    %dma_start3A_14 = arith.constant 1 : i32
    %dma_start3A_15 = arith.constant 1 : i32
    %dma_start3A_16 = arith.constant 0 : i32
    %dma_start3A_17 = arith.constant 0 : i32
    %dma_start3A_18 = tpu.memref_slice %arg6[%dma_start3A_15, %dma_start3A_16, %dma_start3A_17] : memref<7x128x128xf32, #tpu.memory_space<vmem>> -> memref<1x128x128xf32, #tpu.memory_space<vmem>>
    %dma_start3A_19 = tpu.memref_squeeze %dma_start3A_18 : memref<1x128x128xf32, #tpu.memory_space<vmem>> -> memref<128x128xf32, #tpu.memory_space<vmem>>
    %dma_start3A_20 = arith.constant 0 : i32
    %dma_start3A_21 = tpu.memref_slice %arg5[%dma_start3A_14, %dma_start3A_20] : memref<50x128xi32, #tpu.memory_space<vmem>> -> memref<1x128xi32, #tpu.memory_space<vmem>>
    %dma_start3A_22 = tpu.memref_squeeze %dma_start3A_21 : memref<1x128xi32, #tpu.memory_space<vmem>> -> memref<128xi32, #tpu.memory_space<vmem>>
    %dma_start3A_23 = arith.constant 0 : i32
    %dma_start3A_24 = arith.constant 0 : i32
    %dma_start3A_25 = tpu.memref_slice %arg3[%dma_start3A_23, %dma_start3A_24] : memref<100000x128xf32, #tpu.memory_space<hbm>> -> memref<100000x128xf32, #tpu.memory_space<hbm>>
    tpu.enqueue_indirect_dma source(%dma_start3A_25 : memref<100000x128xf32, #tpu.memory_space<hbm>>) target(%dma_start3A_19 : memref<128x128xf32, #tpu.memory_space<vmem>>) offsets(%dma_start3A_22 : memref<128xi32, #tpu.memory_space<vmem>>) semaphore(%arg8 : memref<!tpu.dma_semaphore, #tpu.memory_space<semaphore_mem>>)
    %dma_start3A_26 = arith.constant 2 : i32
    %dma_start3A_27 = arith.constant 2 : i32
    %dma_start3A_28 = arith.constant 0 : i32
    %dma_start3A_29 = arith.constant 0 : i32
    %dma_start3A_30 = tpu.memref_slice %arg6[%dma_start3A_27, %dma_start3A_28, %dma_start3A_29] : memref<7x128x128xf32, #tpu.memory_space<vmem>> -> memref<1x128x128xf32, #tpu.memory_space<vmem>>
    %dma_start3A_31 = tpu.memref_squeeze %dma_start3A_30 : memref<1x128x128xf32, #tpu.memory_space<vmem>> -> memref<128x128xf32, #tpu.memory_space<vmem>>
    %dma_start3A_32 = arith.constant 0 : i32
    %dma_start3A_33 = tpu.memref_slice %arg5[%dma_start3A_26, %dma_start3A_32] : memref<50x128xi32, #tpu.memory_space<vmem>> -> memref<1x128xi32, #tpu.memory_space<vmem>>
    %dma_start3A_34 = tpu.memref_squeeze %dma_start3A_33 : memref<1x128xi32, #tpu.memory_space<vmem>> -> memref<128xi32, #tpu.memory_space<vmem>>
    %dma_start3A_35 = arith.constant 0 : i32
    %dma_start3A_36 = arith.constant 0 : i32
    %dma_start3A_37 = tpu.memref_slice %arg3[%dma_start3A_35, %dma_start3A_36] : memref<100000x128xf32, #tpu.memory_space<hbm>> -> memref<100000x128xf32, #tpu.memory_space<hbm>>
    tpu.enqueue_indirect_dma source(%dma_start3A_37 : memref<100000x128xf32, #tpu.memory_space<hbm>>) target(%dma_start3A_31 : memref<128x128xf32, #tpu.memory_space<vmem>>) offsets(%dma_start3A_34 : memref<128xi32, #tpu.memory_space<vmem>>) semaphore(%arg9 : memref<!tpu.dma_semaphore, #tpu.memory_space<semaphore_mem>>)
    %dma_start3A_38 = arith.constant 3 : i32
    %dma_start3A_39 = arith.constant 3 : i32
    %dma_start3A_40 = arith.constant 0 : i32
    %dma_start3A_41 = arith.constant 0 : i32
    %dma_start3A_42 = tpu.memref_slice %arg6[%dma_start3A_39, %dma_start3A_40, %dma_start3A_41] : memref<7x128x128xf32, #tpu.memory_space<vmem>> -> memref<1x128x128xf32, #tpu.memory_space<vmem>>
    %dma_start3A_43 = tpu.memref_squeeze %dma_start3A_42 : memref<1x128x128xf32, #tpu.memory_space<vmem>> -> memref<128x128xf32, #tpu.memory_space<vmem>>
    %dma_start3A_44 = arith.constant 0 : i32
    %dma_start3A_45 = tpu.memref_slice %arg5[%dma_start3A_38, %dma_start3A_44] : memref<50x128xi32, #tpu.memory_space<vmem>> -> memref<1x128xi32, #tpu.memory_space<vmem>>
    %dma_start3A_46 = tpu.memref_squeeze %dma_start3A_45 : memref<1x128xi32, #tpu.memory_space<vmem>> -> memref<128xi32, #tpu.memory_space<vmem>>
    %dma_start3A_47 = arith.constant 0 : i32
    %dma_start3A_48 = arith.constant 0 : i32
    %dma_start3A_49 = tpu.memref_slice %arg3[%dma_start3A_47, %dma_start3A_48] : memref<100000x128xf32, #tpu.memory_space<hbm>> -> memref<100000x128xf32, #tpu.memory_space<hbm>>
    tpu.enqueue_indirect_dma source(%dma_start3A_49 : memref<100000x128xf32, #tpu.memory_space<hbm>>) target(%dma_start3A_43 : memref<128x128xf32, #tpu.memory_space<vmem>>) offsets(%dma_start3A_46 : memref<128xi32, #tpu.memory_space<vmem>>) semaphore(%arg10 : memref<!tpu.dma_semaphore, #tpu.memory_space<semaphore_mem>>)
    %dma_start3A_50 = arith.constant 4 : i32
    %dma_start3A_51 = arith.constant 4 : i32
    %dma_start3A_52 = arith.constant 0 : i32
    %dma_start3A_53 = arith.constant 0 : i32
    %dma_start3A_54 = tpu.memref_slice %arg6[%dma_start3A_51, %dma_start3A_52, %dma_start3A_53] : memref<7x128x128xf32, #tpu.memory_space<vmem>> -> memref<1x128x128xf32, #tpu.memory_space<vmem>>
    %dma_start3A_55 = tpu.memref_squeeze %dma_start3A_54 : memref<1x128x128xf32, #tpu.memory_space<vmem>> -> memref<128x128xf32, #tpu.memory_space<vmem>>
    %dma_start3A_56 = arith.constant 0 : i32
    %dma_start3A_57 = tpu.memref_slice %arg5[%dma_start3A_50, %dma_start3A_56] : memref<50x128xi32, #tpu.memory_space<vmem>> -> memref<1x128xi32, #tpu.memory_space<vmem>>
    %dma_start3A_58 = tpu.memref_squeeze %dma_start3A_57 : memref<1x128xi32, #tpu.memory_space<vmem>> -> memref<128xi32, #tpu.memory_space<vmem>>
    %dma_start3A_59 = arith.constant 0 : i32
    %dma_start3A_60 = arith.constant 0 : i32
    %dma_start3A_61 = tpu.memref_slice %arg3[%dma_start3A_59, %dma_start3A_60] : memref<100000x128xf32, #tpu.memory_space<hbm>> -> memref<100000x128xf32, #tpu.memory_space<hbm>>
    tpu.enqueue_indirect_dma source(%dma_start3A_61 : memref<100000x128xf32, #tpu.memory_space<hbm>>) target(%dma_start3A_55 : memref<128x128xf32, #tpu.memory_space<vmem>>) offsets(%dma_start3A_58 : memref<128xi32, #tpu.memory_space<vmem>>) semaphore(%arg11 : memref<!tpu.dma_semaphore, #tpu.memory_space<semaphore_mem>>)
    %dma_start3A_62 = arith.constant 5 : i32
    %dma_start3A_63 = arith.constant 5 : i32
    %dma_start3A_64 = arith.constant 0 : i32
    %dma_start3A_65 = arith.constant 0 : i32
    %dma_start3A_66 = tpu.memref_slice %arg6[%dma_start3A_63, %dma_start3A_64, %dma_start3A_65] : memref<7x128x128xf32, #tpu.memory_space<vmem>> -> memref<1x128x128xf32, #tpu.memory_space<vmem>>
    %dma_start3A_67 = tpu.memref_squeeze %dma_start3A_66 : memref<1x128x128xf32, #tpu.memory_space<vmem>> -> memref<128x128xf32, #tpu.memory_space<vmem>>
    %dma_start3A_68 = arith.constant 0 : i32
    %dma_start3A_69 = tpu.memref_slice %arg5[%dma_start3A_62, %dma_start3A_68] : memref<50x128xi32, #tpu.memory_space<vmem>> -> memref<1x128xi32, #tpu.memory_space<vmem>>
    %dma_start3A_70 = tpu.memref_squeeze %dma_start3A_69 : memref<1x128xi32, #tpu.memory_space<vmem>> -> memref<128xi32, #tpu.memory_space<vmem>>
    %dma_start3A_71 = arith.constant 0 : i32
    %dma_start3A_72 = arith.constant 0 : i32
    %dma_start3A_73 = tpu.memref_slice %arg3[%dma_start3A_71, %dma_start3A_72] : memref<100000x128xf32, #tpu.memory_space<hbm>> -> memref<100000x128xf32, #tpu.memory_space<hbm>>
    tpu.enqueue_indirect_dma source(%dma_start3A_73 : memref<100000x128xf32, #tpu.memory_space<hbm>>) target(%dma_start3A_67 : memref<128x128xf32, #tpu.memory_space<vmem>>) offsets(%dma_start3A_70 : memref<128xi32, #tpu.memory_space<vmem>>) semaphore(%arg12 : memref<!tpu.dma_semaphore, #tpu.memory_space<semaphore_mem>>)
    %dma_start3A_74 = arith.constant 6 : i32
    %dma_start3A_75 = arith.constant 6 : i32
    %dma_start3A_76 = arith.constant 0 : i32
    %dma_start3A_77 = arith.constant 0 : i32
    %dma_start3A_78 = tpu.memref_slice %arg6[%dma_start3A_75, %dma_start3A_76, %dma_start3A_77] : memref<7x128x128xf32, #tpu.memory_space<vmem>> -> memref<1x128x128xf32, #tpu.memory_space<vmem>>
    %dma_start3A_79 = tpu.memref_squeeze %dma_start3A_78 : memref<1x128x128xf32, #tpu.memory_space<vmem>> -> memref<128x128xf32, #tpu.memory_space<vmem>>
    %dma_start3A_80 = arith.constant 0 : i32
    %dma_start3A_81 = tpu.memref_slice %arg5[%dma_start3A_74, %dma_start3A_80] : memref<50x128xi32, #tpu.memory_space<vmem>> -> memref<1x128xi32, #tpu.memory_space<vmem>>
    %dma_start3A_82 = tpu.memref_squeeze %dma_start3A_81 : memref<1x128xi32, #tpu.memory_space<vmem>> -> memref<128xi32, #tpu.memory_space<vmem>>
    %dma_start3A_83 = arith.constant 0 : i32
    %dma_start3A_84 = arith.constant 0 : i32
    %dma_start3A_85 = tpu.memref_slice %arg3[%dma_start3A_83, %dma_start3A_84] : memref<100000x128xf32, #tpu.memory_space<hbm>> -> memref<100000x128xf32, #tpu.memory_space<hbm>>
    tpu.enqueue_indirect_dma source(%dma_start3A_85 : memref<100000x128xf32, #tpu.memory_space<hbm>>) target(%dma_start3A_79 : memref<128x128xf32, #tpu.memory_space<vmem>>) offsets(%dma_start3A_82 : memref<128xi32, #tpu.memory_space<vmem>>) semaphore(%arg13 : memref<!tpu.dma_semaphore, #tpu.memory_space<semaphore_mem>>)
    %scan3A = arith.constant 0 : i32
    %scan3A_86 = arith.constant 0 : i32
    %scan3A_87 = arith.constant 8 : i32
    %scan3A_88 = arith.addi %scan3A_86, %scan3A_87 : i32
    %scan3A_89 = arith.constant 1 : i32
    scf.for %scan3A_202 = %scan3A_86 to %scan3A_88 step %scan3A_89  : i32 {
      %mul3A_203 = arith.constant 7 : i32
      %mul3A_204 = arith.muli %scan3A_202, %mul3A_203 : i32
      %add3A_205 = arith.constant 0 : i32
      %add3A_206 = arith.addi %mul3A_204, %add3A_205 : i32
      %lt3A = arith.constant 50 : i32
      %lt3A_207 = arith.cmpi slt, %add3A_206, %lt3A : i32
      %convert_element_type3A = arith.extui %lt3A_207 : i1 to i32
      %cond3A = arith.constant 0 : i32
      %cond3A_208 = arith.cmpi ne, %convert_element_type3A, %cond3A : i32
      scf.if %cond3A_208 {
        %dma_wait3A_263 = arith.constant 0 : i32
        %dma_wait3A_264 = arith.constant 0 : i32
        %dma_wait3A_265 = arith.constant 0 : i32
        %dma_wait3A_266 = tpu.memref_slice %arg6[%dma_wait3A_263, %dma_wait3A_264, %dma_wait3A_265] : memref<7x128x128xf32, #tpu.memory_space<vmem>> -> memref<1x128x128xf32, #tpu.memory_space<vmem>>
        %dma_wait3A_267 = tpu.memref_squeeze %dma_wait3A_266 : memref<1x128x128xf32, #tpu.memory_space<vmem>> -> memref<128x128xf32, #tpu.memory_space<vmem>>
        %dma_wait3A_268 = arith.constant 0 : i32
        %dma_wait3A_269 = tpu.memref_slice %arg5[%add3A_206, %dma_wait3A_268] : memref<50x128xi32, #tpu.memory_space<vmem>> -> memref<1x128xi32, #tpu.memory_space<vmem>>
        %dma_wait3A_270 = tpu.memref_squeeze %dma_wait3A_269 : memref<1x128xi32, #tpu.memory_space<vmem>> -> memref<128xi32, #tpu.memory_space<vmem>>
        %dma_wait3A_271 = arith.constant 0 : i32
        %dma_wait3A_272 = arith.constant 0 : i32
        %dma_wait3A_273 = tpu.memref_slice %arg3[%dma_wait3A_271, %dma_wait3A_272] : memref<100000x128xf32, #tpu.memory_space<hbm>> -> memref<100000x128xf32, #tpu.memory_space<hbm>>
        tpu.wait_indirect_dma semaphore(%arg7 : memref<!tpu.dma_semaphore, #tpu.memory_space<semaphore_mem>>) src(%dma_wait3A_273 : memref<100000x128xf32, #tpu.memory_space<hbm>>) dst(%dma_wait3A_267 : memref<128x128xf32, #tpu.memory_space<vmem>>)
        %dma_start3A_274 = arith.constant 0 : i32
        %dma_start3A_275 = arith.constant 0 : i32
        %dma_start3A_276 = arith.constant 0 : i32
        %dma_start3A_277 = tpu.memref_slice %arg6[%dma_start3A_274, %dma_start3A_275, %dma_start3A_276] : memref<7x128x128xf32, #tpu.memory_space<vmem>> -> memref<1x128x128xf32, #tpu.memory_space<vmem>>
        %dma_start3A_278 = tpu.memref_squeeze %dma_start3A_277 : memref<1x128x128xf32, #tpu.memory_space<vmem>> -> memref<128x128xf32, #tpu.memory_space<vmem>>
        %dma_start3A_279 = arith.constant 0 : i32
        %dma_start3A_280 = tpu.memref_slice %arg4[%add3A_206, %mul3A_2, %dma_start3A_279] : memref<50x4096x128xf32, #tpu.memory_space<hbm>> -> memref<1x128x128xf32, #tpu.memory_space<hbm>>
        %dma_start3A_281 = tpu.memref_squeeze %dma_start3A_280 : memref<1x128x128xf32, #tpu.memory_space<hbm>> -> memref<128x128xf32, #tpu.memory_space<hbm>>
        %dma_start3A_282 = arith.constant 0 : i32
        %dma_start3A_283 = tpu.memref_slice %arg4[%add3A_206, %mul3A_2, %dma_start3A_282] : memref<50x4096x128xf32, #tpu.memory_space<hbm>> -> memref<1x128x128xf32, #tpu.memory_space<hbm>>
        %dma_start3A_284 = tpu.memref_squeeze %dma_start3A_283 : memref<1x128x128xf32, #tpu.memory_space<hbm>> -> memref<128x128xf32, #tpu.memory_space<hbm>>
        %dma_start3A_285 = arith.constant 0 : i32
        %dma_start3A_286 = arith.constant 0 : i32
        %dma_start3A_287 = tpu.memref_slice %arg6[%dma_start3A_274, %dma_start3A_285, %dma_start3A_286] : memref<7x128x128xf32, #tpu.memory_space<vmem>> -> memref<1x128x128xf32, #tpu.memory_space<vmem>>
        %dma_start3A_288 = tpu.memref_squeeze %dma_start3A_287 : memref<1x128x128xf32, #tpu.memory_space<vmem>> -> memref<128x128xf32, #tpu.memory_space<vmem>>
        tpu.enqueue_dma source(%dma_start3A_288 : memref<128x128xf32, #tpu.memory_space<vmem>>) target(%dma_start3A_284 : memref<128x128xf32, #tpu.memory_space<hbm>>) target_semaphore(%arg14 : memref<!tpu.dma_semaphore, #tpu.memory_space<semaphore_mem>>)
        %add3A_289 = arith.constant 7 : i32
        %add3A_290 = arith.addi %add3A_206, %add3A_289 : i32
        %lt3A_291 = arith.constant 50 : i32
        %lt3A_292 = arith.cmpi slt, %add3A_290, %lt3A_291 : i32
        %convert_element_type3A_293 = arith.extui %lt3A_292 : i1 to i32
        %cond3A_294 = arith.constant 0 : i32
        %cond3A_295 = arith.cmpi ne, %convert_element_type3A_293, %cond3A_294 : i32
        scf.if %cond3A_295 {
          %dma_wait3A_296 = arith.constant 0 : i32
          %dma_wait3A_297 = arith.constant 0 : i32
          %dma_wait3A_298 = arith.constant 0 : i32
          %dma_wait3A_299 = tpu.memref_slice %arg6[%dma_wait3A_296, %dma_wait3A_297, %dma_wait3A_298] : memref<7x128x128xf32, #tpu.memory_space<vmem>> -> memref<1x128x128xf32, #tpu.memory_space<vmem>>
          %dma_wait3A_300 = tpu.memref_squeeze %dma_wait3A_299 : memref<1x128x128xf32, #tpu.memory_space<vmem>> -> memref<128x128xf32, #tpu.memory_space<vmem>>
          %dma_wait3A_301 = arith.constant 0 : i32
          %dma_wait3A_302 = tpu.memref_slice %arg4[%add3A_206, %mul3A_2, %dma_wait3A_301] : memref<50x4096x128xf32, #tpu.memory_space<hbm>> -> memref<1x128x128xf32, #tpu.memory_space<hbm>>
          %dma_wait3A_303 = tpu.memref_squeeze %dma_wait3A_302 : memref<1x128x128xf32, #tpu.memory_space<hbm>> -> memref<128x128xf32, #tpu.memory_space<hbm>>
          %dma_wait3A_304 = arith.constant 0 : i32
          %dma_wait3A_305 = tpu.memref_slice %arg4[%add3A_206, %mul3A_2, %dma_wait3A_304] : memref<50x4096x128xf32, #tpu.memory_space<hbm>> -> memref<1x128x128xf32, #tpu.memory_space<hbm>>
          %dma_wait3A_306 = tpu.memref_squeeze %dma_wait3A_305 : memref<1x128x128xf32, #tpu.memory_space<hbm>> -> memref<128x128xf32, #tpu.memory_space<hbm>>
          %dma_wait3A_307 = arith.constant 0 : i32
          %dma_wait3A_308 = arith.constant 0 : i32
          %dma_wait3A_309 = tpu.memref_slice %arg6[%dma_wait3A_296, %dma_wait3A_307, %dma_wait3A_308] : memref<7x128x128xf32, #tpu.memory_space<vmem>> -> memref<1x128x128xf32, #tpu.memory_space<vmem>>
          %dma_wait3A_310 = tpu.memref_squeeze %dma_wait3A_309 : memref<1x128x128xf32, #tpu.memory_space<vmem>> -> memref<128x128xf32, #tpu.memory_space<vmem>>
          tpu.wait_dma2 semaphore(%arg14 : memref<!tpu.dma_semaphore, #tpu.memory_space<semaphore_mem>>) src(%dma_wait3A_310 : memref<128x128xf32, #tpu.memory_space<vmem>>) dst(%dma_wait3A_306 : memref<128x128xf32, #tpu.memory_space<hbm>>)
          %add3A_311 = arith.constant 7 : i32
          %add3A_312 = arith.addi %add3A_206, %add3A_311 : i32
          %dma_start3A_313 = arith.constant 0 : i32
          %dma_start3A_314 = arith.constant 0 : i32
          %dma_start3A_315 = arith.constant 0 : i32
          %dma_start3A_316 = tpu.memref_slice %arg6[%dma_start3A_313, %dma_start3A_314, %dma_start3A_315] : memref<7x128x128xf32, #tpu.memory_space<vmem>> -> memref<1x128x128xf32, #tpu.memory_space<vmem>>
          %dma_start3A_317 = tpu.memref_squeeze %dma_start3A_316 : memref<1x128x128xf32, #tpu.memory_space<vmem>> -> memref<128x128xf32, #tpu.memory_space<vmem>>
          %dma_start3A_318 = arith.constant 0 : i32
          %dma_start3A_319 = tpu.memref_slice %arg5[%add3A_312, %dma_start3A_318] : memref<50x128xi32, #tpu.memory_space<vmem>> -> memref<1x128xi32, #tpu.memory_space<vmem>>
          %dma_start3A_320 = tpu.memref_squeeze %dma_start3A_319 : memref<1x128xi32, #tpu.memory_space<vmem>> -> memref<128xi32, #tpu.memory_space<vmem>>
          %dma_start3A_321 = arith.constant 0 : i32
          %dma_start3A_322 = arith.constant 0 : i32
          %dma_start3A_323 = tpu.memref_slice %arg3[%dma_start3A_321, %dma_start3A_322] : memref<100000x128xf32, #tpu.memory_space<hbm>> -> memref<100000x128xf32, #tpu.memory_space<hbm>>
          tpu.enqueue_indirect_dma source(%dma_start3A_323 : memref<100000x128xf32, #tpu.memory_space<hbm>>) target(%dma_start3A_317 : memref<128x128xf32, #tpu.memory_space<vmem>>) offsets(%dma_start3A_320 : memref<128xi32, #tpu.memory_space<vmem>>) semaphore(%arg7 : memref<!tpu.dma_semaphore, #tpu.memory_space<semaphore_mem>>)
        } else {
        }
      } else {
      }
      %mul3A_209 = arith.constant 7 : i32
      %mul3A_210 = arith.muli %scan3A_202, %mul3A_209 : i32
      %add3A_211 = arith.constant 1 : i32
      %add3A_212 = arith.addi %mul3A_210, %add3A_211 : i32
      %lt3A_213 = arith.constant 50 : i32
      %lt3A_214 = arith.cmpi slt, %add3A_212, %lt3A_213 : i32
      %convert_element_type3A_215 = arith.extui %lt3A_214 : i1 to i32
      %cond3A_216 = arith.constant 0 : i32
      %cond3A_217 = arith.cmpi ne, %convert_element_type3A_215, %cond3A_216 : i32
      scf.if %cond3A_217 {
        %dma_wait3A_263 = arith.constant 1 : i32
        %dma_wait3A_264 = arith.constant 0 : i32
        %dma_wait3A_265 = arith.constant 0 : i32
        %dma_wait3A_266 = tpu.memref_slice %arg6[%dma_wait3A_263, %dma_wait3A_264, %dma_wait3A_265] : memref<7x128x128xf32, #tpu.memory_space<vmem>> -> memref<1x128x128xf32, #tpu.memory_space<vmem>>
        %dma_wait3A_267 = tpu.memref_squeeze %dma_wait3A_266 : memref<1x128x128xf32, #tpu.memory_space<vmem>> -> memref<128x128xf32, #tpu.memory_space<vmem>>
        %dma_wait3A_268 = arith.constant 0 : i32
        %dma_wait3A_269 = tpu.memref_slice %arg5[%add3A_212, %dma_wait3A_268] : memref<50x128xi32, #tpu.memory_space<vmem>> -> memref<1x128xi32, #tpu.memory_space<vmem>>
        %dma_wait3A_270 = tpu.memref_squeeze %dma_wait3A_269 : memref<1x128xi32, #tpu.memory_space<vmem>> -> memref<128xi32, #tpu.memory_space<vmem>>
        %dma_wait3A_271 = arith.constant 0 : i32
        %dma_wait3A_272 = arith.constant 0 : i32
        %dma_wait3A_273 = tpu.memref_slice %arg3[%dma_wait3A_271, %dma_wait3A_272] : memref<100000x128xf32, #tpu.memory_space<hbm>> -> memref<100000x128xf32, #tpu.memory_space<hbm>>
        tpu.wait_indirect_dma semaphore(%arg8 : memref<!tpu.dma_semaphore, #tpu.memory_space<semaphore_mem>>) src(%dma_wait3A_273 : memref<100000x128xf32, #tpu.memory_space<hbm>>) dst(%dma_wait3A_267 : memref<128x128xf32, #tpu.memory_space<vmem>>)
        %dma_start3A_274 = arith.constant 1 : i32
        %dma_start3A_275 = arith.constant 0 : i32
        %dma_start3A_276 = arith.constant 0 : i32
        %dma_start3A_277 = tpu.memref_slice %arg6[%dma_start3A_274, %dma_start3A_275, %dma_start3A_276] : memref<7x128x128xf32, #tpu.memory_space<vmem>> -> memref<1x128x128xf32, #tpu.memory_space<vmem>>
        %dma_start3A_278 = tpu.memref_squeeze %dma_start3A_277 : memref<1x128x128xf32, #tpu.memory_space<vmem>> -> memref<128x128xf32, #tpu.memory_space<vmem>>
        %dma_start3A_279 = arith.constant 0 : i32
        %dma_start3A_280 = tpu.memref_slice %arg4[%add3A_212, %mul3A_2, %dma_start3A_279] : memref<50x4096x128xf32, #tpu.memory_space<hbm>> -> memref<1x128x128xf32, #tpu.memory_space<hbm>>
        %dma_start3A_281 = tpu.memref_squeeze %dma_start3A_280 : memref<1x128x128xf32, #tpu.memory_space<hbm>> -> memref<128x128xf32, #tpu.memory_space<hbm>>
        %dma_start3A_282 = arith.constant 0 : i32
        %dma_start3A_283 = tpu.memref_slice %arg4[%add3A_212, %mul3A_2, %dma_start3A_282] : memref<50x4096x128xf32, #tpu.memory_space<hbm>> -> memref<1x128x128xf32, #tpu.memory_space<hbm>>
        %dma_start3A_284 = tpu.memref_squeeze %dma_start3A_283 : memref<1x128x128xf32, #tpu.memory_space<hbm>> -> memref<128x128xf32, #tpu.memory_space<hbm>>
        %dma_start3A_285 = arith.constant 0 : i32
        %dma_start3A_286 = arith.constant 0 : i32
        %dma_start3A_287 = tpu.memref_slice %arg6[%dma_start3A_274, %dma_start3A_285, %dma_start3A_286] : memref<7x128x128xf32, #tpu.memory_space<vmem>> -> memref<1x128x128xf32, #tpu.memory_space<vmem>>
        %dma_start3A_288 = tpu.memref_squeeze %dma_start3A_287 : memref<1x128x128xf32, #tpu.memory_space<vmem>> -> memref<128x128xf32, #tpu.memory_space<vmem>>
        tpu.enqueue_dma source(%dma_start3A_288 : memref<128x128xf32, #tpu.memory_space<vmem>>) target(%dma_start3A_284 : memref<128x128xf32, #tpu.memory_space<hbm>>) target_semaphore(%arg15 : memref<!tpu.dma_semaphore, #tpu.memory_space<semaphore_mem>>)
        %add3A_289 = arith.constant 7 : i32
        %add3A_290 = arith.addi %add3A_212, %add3A_289 : i32
        %lt3A_291 = arith.constant 50 : i32
        %lt3A_292 = arith.cmpi slt, %add3A_290, %lt3A_291 : i32
        %convert_element_type3A_293 = arith.extui %lt3A_292 : i1 to i32
        %cond3A_294 = arith.constant 0 : i32
        %cond3A_295 = arith.cmpi ne, %convert_element_type3A_293, %cond3A_294 : i32
        scf.if %cond3A_295 {
          %dma_wait3A_296 = arith.constant 1 : i32
          %dma_wait3A_297 = arith.constant 0 : i32
          %dma_wait3A_298 = arith.constant 0 : i32
          %dma_wait3A_299 = tpu.memref_slice %arg6[%dma_wait3A_296, %dma_wait3A_297, %dma_wait3A_298] : memref<7x128x128xf32, #tpu.memory_space<vmem>> -> memref<1x128x128xf32, #tpu.memory_space<vmem>>
          %dma_wait3A_300 = tpu.memref_squeeze %dma_wait3A_299 : memref<1x128x128xf32, #tpu.memory_space<vmem>> -> memref<128x128xf32, #tpu.memory_space<vmem>>
          %dma_wait3A_301 = arith.constant 0 : i32
          %dma_wait3A_302 = tpu.memref_slice %arg4[%add3A_212, %mul3A_2, %dma_wait3A_301] : memref<50x4096x128xf32, #tpu.memory_space<hbm>> -> memref<1x128x128xf32, #tpu.memory_space<hbm>>
          %dma_wait3A_303 = tpu.memref_squeeze %dma_wait3A_302 : memref<1x128x128xf32, #tpu.memory_space<hbm>> -> memref<128x128xf32, #tpu.memory_space<hbm>>
          %dma_wait3A_304 = arith.constant 0 : i32
          %dma_wait3A_305 = tpu.memref_slice %arg4[%add3A_212, %mul3A_2, %dma_wait3A_304] : memref<50x4096x128xf32, #tpu.memory_space<hbm>> -> memref<1x128x128xf32, #tpu.memory_space<hbm>>
          %dma_wait3A_306 = tpu.memref_squeeze %dma_wait3A_305 : memref<1x128x128xf32, #tpu.memory_space<hbm>> -> memref<128x128xf32, #tpu.memory_space<hbm>>
          %dma_wait3A_307 = arith.constant 0 : i32
          %dma_wait3A_308 = arith.constant 0 : i32
          %dma_wait3A_309 = tpu.memref_slice %arg6[%dma_wait3A_296, %dma_wait3A_307, %dma_wait3A_308] : memref<7x128x128xf32, #tpu.memory_space<vmem>> -> memref<1x128x128xf32, #tpu.memory_space<vmem>>
          %dma_wait3A_310 = tpu.memref_squeeze %dma_wait3A_309 : memref<1x128x128xf32, #tpu.memory_space<vmem>> -> memref<128x128xf32, #tpu.memory_space<vmem>>
          tpu.wait_dma2 semaphore(%arg15 : memref<!tpu.dma_semaphore, #tpu.memory_space<semaphore_mem>>) src(%dma_wait3A_310 : memref<128x128xf32, #tpu.memory_space<vmem>>) dst(%dma_wait3A_306 : memref<128x128xf32, #tpu.memory_space<hbm>>)
          %add3A_311 = arith.constant 7 : i32
          %add3A_312 = arith.addi %add3A_212, %add3A_311 : i32
          %dma_start3A_313 = arith.constant 1 : i32
          %dma_start3A_314 = arith.constant 0 : i32
          %dma_start3A_315 = arith.constant 0 : i32
          %dma_start3A_316 = tpu.memref_slice %arg6[%dma_start3A_313, %dma_start3A_314, %dma_start3A_315] : memref<7x128x128xf32, #tpu.memory_space<vmem>> -> memref<1x128x128xf32, #tpu.memory_space<vmem>>
          %dma_start3A_317 = tpu.memref_squeeze %dma_start3A_316 : memref<1x128x128xf32, #tpu.memory_space<vmem>> -> memref<128x128xf32, #tpu.memory_space<vmem>>
          %dma_start3A_318 = arith.constant 0 : i32
          %dma_start3A_319 = tpu.memref_slice %arg5[%add3A_312, %dma_start3A_318] : memref<50x128xi32, #tpu.memory_space<vmem>> -> memref<1x128xi32, #tpu.memory_space<vmem>>
          %dma_start3A_320 = tpu.memref_squeeze %dma_start3A_319 : memref<1x128xi32, #tpu.memory_space<vmem>> -> memref<128xi32, #tpu.memory_space<vmem>>
          %dma_start3A_321 = arith.constant 0 : i32
          %dma_start3A_322 = arith.constant 0 : i32
          %dma_start3A_323 = tpu.memref_slice %arg3[%dma_start3A_321, %dma_start3A_322] : memref<100000x128xf32, #tpu.memory_space<hbm>> -> memref<100000x128xf32, #tpu.memory_space<hbm>>
          tpu.enqueue_indirect_dma source(%dma_start3A_323 : memref<100000x128xf32, #tpu.memory_space<hbm>>) target(%dma_start3A_317 : memref<128x128xf32, #tpu.memory_space<vmem>>) offsets(%dma_start3A_320 : memref<128xi32, #tpu.memory_space<vmem>>) semaphore(%arg8 : memref<!tpu.dma_semaphore, #tpu.memory_space<semaphore_mem>>)
        } else {
        }
      } else {
      }
      %mul3A_218 = arith.constant 7 : i32
      %mul3A_219 = arith.muli %scan3A_202, %mul3A_218 : i32
      %add3A_220 = arith.constant 2 : i32
      %add3A_221 = arith.addi %mul3A_219, %add3A_220 : i32
      %lt3A_222 = arith.constant 50 : i32
      %lt3A_223 = arith.cmpi slt, %add3A_221, %lt3A_222 : i32
      %convert_element_type3A_224 = arith.extui %lt3A_223 : i1 to i32
      %cond3A_225 = arith.constant 0 : i32
      %cond3A_226 = arith.cmpi ne, %convert_element_type3A_224, %cond3A_225 : i32
      scf.if %cond3A_226 {
        %dma_wait3A_263 = arith.constant 2 : i32
        %dma_wait3A_264 = arith.constant 0 : i32
        %dma_wait3A_265 = arith.constant 0 : i32
        %dma_wait3A_266 = tpu.memref_slice %arg6[%dma_wait3A_263, %dma_wait3A_264, %dma_wait3A_265] : memref<7x128x128xf32, #tpu.memory_space<vmem>> -> memref<1x128x128xf32, #tpu.memory_space<vmem>>
        %dma_wait3A_267 = tpu.memref_squeeze %dma_wait3A_266 : memref<1x128x128xf32, #tpu.memory_space<vmem>> -> memref<128x128xf32, #tpu.memory_space<vmem>>
        %dma_wait3A_268 = arith.constant 0 : i32
        %dma_wait3A_269 = tpu.memref_slice %arg5[%add3A_221, %dma_wait3A_268] : memref<50x128xi32, #tpu.memory_space<vmem>> -> memref<1x128xi32, #tpu.memory_space<vmem>>
        %dma_wait3A_270 = tpu.memref_squeeze %dma_wait3A_269 : memref<1x128xi32, #tpu.memory_space<vmem>> -> memref<128xi32, #tpu.memory_space<vmem>>
        %dma_wait3A_271 = arith.constant 0 : i32
        %dma_wait3A_272 = arith.constant 0 : i32
        %dma_wait3A_273 = tpu.memref_slice %arg3[%dma_wait3A_271, %dma_wait3A_272] : memref<100000x128xf32, #tpu.memory_space<hbm>> -> memref<100000x128xf32, #tpu.memory_space<hbm>>
        tpu.wait_indirect_dma semaphore(%arg9 : memref<!tpu.dma_semaphore, #tpu.memory_space<semaphore_mem>>) src(%dma_wait3A_273 : memref<100000x128xf32, #tpu.memory_space<hbm>>) dst(%dma_wait3A_267 : memref<128x128xf32, #tpu.memory_space<vmem>>)
        %dma_start3A_274 = arith.constant 2 : i32
        %dma_start3A_275 = arith.constant 0 : i32
        %dma_start3A_276 = arith.constant 0 : i32
        %dma_start3A_277 = tpu.memref_slice %arg6[%dma_start3A_274, %dma_start3A_275, %dma_start3A_276] : memref<7x128x128xf32, #tpu.memory_space<vmem>> -> memref<1x128x128xf32, #tpu.memory_space<vmem>>
        %dma_start3A_278 = tpu.memref_squeeze %dma_start3A_277 : memref<1x128x128xf32, #tpu.memory_space<vmem>> -> memref<128x128xf32, #tpu.memory_space<vmem>>
        %dma_start3A_279 = arith.constant 0 : i32
        %dma_start3A_280 = tpu.memref_slice %arg4[%add3A_221, %mul3A_2, %dma_start3A_279] : memref<50x4096x128xf32, #tpu.memory_space<hbm>> -> memref<1x128x128xf32, #tpu.memory_space<hbm>>
        %dma_start3A_281 = tpu.memref_squeeze %dma_start3A_280 : memref<1x128x128xf32, #tpu.memory_space<hbm>> -> memref<128x128xf32, #tpu.memory_space<hbm>>
        %dma_start3A_282 = arith.constant 0 : i32
        %dma_start3A_283 = tpu.memref_slice %arg4[%add3A_221, %mul3A_2, %dma_start3A_282] : memref<50x4096x128xf32, #tpu.memory_space<hbm>> -> memref<1x128x128xf32, #tpu.memory_space<hbm>>
        %dma_start3A_284 = tpu.memref_squeeze %dma_start3A_283 : memref<1x128x128xf32, #tpu.memory_space<hbm>> -> memref<128x128xf32, #tpu.memory_space<hbm>>
        %dma_start3A_285 = arith.constant 0 : i32
        %dma_start3A_286 = arith.constant 0 : i32
        %dma_start3A_287 = tpu.memref_slice %arg6[%dma_start3A_274, %dma_start3A_285, %dma_start3A_286] : memref<7x128x128xf32, #tpu.memory_space<vmem>> -> memref<1x128x128xf32, #tpu.memory_space<vmem>>
        %dma_start3A_288 = tpu.memref_squeeze %dma_start3A_287 : memref<1x128x128xf32, #tpu.memory_space<vmem>> -> memref<128x128xf32, #tpu.memory_space<vmem>>
        tpu.enqueue_dma source(%dma_start3A_288 : memref<128x128xf32, #tpu.memory_space<vmem>>) target(%dma_start3A_284 : memref<128x128xf32, #tpu.memory_space<hbm>>) target_semaphore(%arg16 : memref<!tpu.dma_semaphore, #tpu.memory_space<semaphore_mem>>)
        %add3A_289 = arith.constant 7 : i32
        %add3A_290 = arith.addi %add3A_221, %add3A_289 : i32
        %lt3A_291 = arith.constant 50 : i32
        %lt3A_292 = arith.cmpi slt, %add3A_290, %lt3A_291 : i32
        %convert_element_type3A_293 = arith.extui %lt3A_292 : i1 to i32
        %cond3A_294 = arith.constant 0 : i32
        %cond3A_295 = arith.cmpi ne, %convert_element_type3A_293, %cond3A_294 : i32
        scf.if %cond3A_295 {
          %dma_wait3A_296 = arith.constant 2 : i32
          %dma_wait3A_297 = arith.constant 0 : i32
          %dma_wait3A_298 = arith.constant 0 : i32
          %dma_wait3A_299 = tpu.memref_slice %arg6[%dma_wait3A_296, %dma_wait3A_297, %dma_wait3A_298] : memref<7x128x128xf32, #tpu.memory_space<vmem>> -> memref<1x128x128xf32, #tpu.memory_space<vmem>>
          %dma_wait3A_300 = tpu.memref_squeeze %dma_wait3A_299 : memref<1x128x128xf32, #tpu.memory_space<vmem>> -> memref<128x128xf32, #tpu.memory_space<vmem>>
          %dma_wait3A_301 = arith.constant 0 : i32
          %dma_wait3A_302 = tpu.memref_slice %arg4[%add3A_221, %mul3A_2, %dma_wait3A_301] : memref<50x4096x128xf32, #tpu.memory_space<hbm>> -> memref<1x128x128xf32, #tpu.memory_space<hbm>>
          %dma_wait3A_303 = tpu.memref_squeeze %dma_wait3A_302 : memref<1x128x128xf32, #tpu.memory_space<hbm>> -> memref<128x128xf32, #tpu.memory_space<hbm>>
          %dma_wait3A_304 = arith.constant 0 : i32
          %dma_wait3A_305 = tpu.memref_slice %arg4[%add3A_221, %mul3A_2, %dma_wait3A_304] : memref<50x4096x128xf32, #tpu.memory_space<hbm>> -> memref<1x128x128xf32, #tpu.memory_space<hbm>>
          %dma_wait3A_306 = tpu.memref_squeeze %dma_wait3A_305 : memref<1x128x128xf32, #tpu.memory_space<hbm>> -> memref<128x128xf32, #tpu.memory_space<hbm>>
          %dma_wait3A_307 = arith.constant 0 : i32
          %dma_wait3A_308 = arith.constant 0 : i32
          %dma_wait3A_309 = tpu.memref_slice %arg6[%dma_wait3A_296, %dma_wait3A_307, %dma_wait3A_308] : memref<7x128x128xf32, #tpu.memory_space<vmem>> -> memref<1x128x128xf32, #tpu.memory_space<vmem>>
          %dma_wait3A_310 = tpu.memref_squeeze %dma_wait3A_309 : memref<1x128x128xf32, #tpu.memory_space<vmem>> -> memref<128x128xf32, #tpu.memory_space<vmem>>
          tpu.wait_dma2 semaphore(%arg16 : memref<!tpu.dma_semaphore, #tpu.memory_space<semaphore_mem>>) src(%dma_wait3A_310 : memref<128x128xf32, #tpu.memory_space<vmem>>) dst(%dma_wait3A_306 : memref<128x128xf32, #tpu.memory_space<hbm>>)
          %add3A_311 = arith.constant 7 : i32
          %add3A_312 = arith.addi %add3A_221, %add3A_311 : i32
          %dma_start3A_313 = arith.constant 2 : i32
          %dma_start3A_314 = arith.constant 0 : i32
          %dma_start3A_315 = arith.constant 0 : i32
          %dma_start3A_316 = tpu.memref_slice %arg6[%dma_start3A_313, %dma_start3A_314, %dma_start3A_315] : memref<7x128x128xf32, #tpu.memory_space<vmem>> -> memref<1x128x128xf32, #tpu.memory_space<vmem>>
          %dma_start3A_317 = tpu.memref_squeeze %dma_start3A_316 : memref<1x128x128xf32, #tpu.memory_space<vmem>> -> memref<128x128xf32, #tpu.memory_space<vmem>>
          %dma_start3A_318 = arith.constant 0 : i32
          %dma_start3A_319 = tpu.memref_slice %arg5[%add3A_312, %dma_start3A_318] : memref<50x128xi32, #tpu.memory_space<vmem>> -> memref<1x128xi32, #tpu.memory_space<vmem>>
          %dma_start3A_320 = tpu.memref_squeeze %dma_start3A_319 : memref<1x128xi32, #tpu.memory_space<vmem>> -> memref<128xi32, #tpu.memory_space<vmem>>
          %dma_start3A_321 = arith.constant 0 : i32
          %dma_start3A_322 = arith.constant 0 : i32
          %dma_start3A_323 = tpu.memref_slice %arg3[%dma_start3A_321, %dma_start3A_322] : memref<100000x128xf32, #tpu.memory_space<hbm>> -> memref<100000x128xf32, #tpu.memory_space<hbm>>
          tpu.enqueue_indirect_dma source(%dma_start3A_323 : memref<100000x128xf32, #tpu.memory_space<hbm>>) target(%dma_start3A_317 : memref<128x128xf32, #tpu.memory_space<vmem>>) offsets(%dma_start3A_320 : memref<128xi32, #tpu.memory_space<vmem>>) semaphore(%arg9 : memref<!tpu.dma_semaphore, #tpu.memory_space<semaphore_mem>>)
        } else {
        }
      } else {
      }
      %mul3A_227 = arith.constant 7 : i32
      %mul3A_228 = arith.muli %scan3A_202, %mul3A_227 : i32
      %add3A_229 = arith.constant 3 : i32
      %add3A_230 = arith.addi %mul3A_228, %add3A_229 : i32
      %lt3A_231 = arith.constant 50 : i32
      %lt3A_232 = arith.cmpi slt, %add3A_230, %lt3A_231 : i32
      %convert_element_type3A_233 = arith.extui %lt3A_232 : i1 to i32
      %cond3A_234 = arith.constant 0 : i32
      %cond3A_235 = arith.cmpi ne, %convert_element_type3A_233, %cond3A_234 : i32
      scf.if %cond3A_235 {
        %dma_wait3A_263 = arith.constant 3 : i32
        %dma_wait3A_264 = arith.constant 0 : i32
        %dma_wait3A_265 = arith.constant 0 : i32
        %dma_wait3A_266 = tpu.memref_slice %arg6[%dma_wait3A_263, %dma_wait3A_264, %dma_wait3A_265] : memref<7x128x128xf32, #tpu.memory_space<vmem>> -> memref<1x128x128xf32, #tpu.memory_space<vmem>>
        %dma_wait3A_267 = tpu.memref_squeeze %dma_wait3A_266 : memref<1x128x128xf32, #tpu.memory_space<vmem>> -> memref<128x128xf32, #tpu.memory_space<vmem>>
        %dma_wait3A_268 = arith.constant 0 : i32
        %dma_wait3A_269 = tpu.memref_slice %arg5[%add3A_230, %dma_wait3A_268] : memref<50x128xi32, #tpu.memory_space<vmem>> -> memref<1x128xi32, #tpu.memory_space<vmem>>
        %dma_wait3A_270 = tpu.memref_squeeze %dma_wait3A_269 : memref<1x128xi32, #tpu.memory_space<vmem>> -> memref<128xi32, #tpu.memory_space<vmem>>
        %dma_wait3A_271 = arith.constant 0 : i32
        %dma_wait3A_272 = arith.constant 0 : i32
        %dma_wait3A_273 = tpu.memref_slice %arg3[%dma_wait3A_271, %dma_wait3A_272] : memref<100000x128xf32, #tpu.memory_space<hbm>> -> memref<100000x128xf32, #tpu.memory_space<hbm>>
        tpu.wait_indirect_dma semaphore(%arg10 : memref<!tpu.dma_semaphore, #tpu.memory_space<semaphore_mem>>) src(%dma_wait3A_273 : memref<100000x128xf32, #tpu.memory_space<hbm>>) dst(%dma_wait3A_267 : memref<128x128xf32, #tpu.memory_space<vmem>>)
        %dma_start3A_274 = arith.constant 3 : i32
        %dma_start3A_275 = arith.constant 0 : i32
        %dma_start3A_276 = arith.constant 0 : i32
        %dma_start3A_277 = tpu.memref_slice %arg6[%dma_start3A_274, %dma_start3A_275, %dma_start3A_276] : memref<7x128x128xf32, #tpu.memory_space<vmem>> -> memref<1x128x128xf32, #tpu.memory_space<vmem>>
        %dma_start3A_278 = tpu.memref_squeeze %dma_start3A_277 : memref<1x128x128xf32, #tpu.memory_space<vmem>> -> memref<128x128xf32, #tpu.memory_space<vmem>>
        %dma_start3A_279 = arith.constant 0 : i32
        %dma_start3A_280 = tpu.memref_slice %arg4[%add3A_230, %mul3A_2, %dma_start3A_279] : memref<50x4096x128xf32, #tpu.memory_space<hbm>> -> memref<1x128x128xf32, #tpu.memory_space<hbm>>
        %dma_start3A_281 = tpu.memref_squeeze %dma_start3A_280 : memref<1x128x128xf32, #tpu.memory_space<hbm>> -> memref<128x128xf32, #tpu.memory_space<hbm>>
        %dma_start3A_282 = arith.constant 0 : i32
        %dma_start3A_283 = tpu.memref_slice %arg4[%add3A_230, %mul3A_2, %dma_start3A_282] : memref<50x4096x128xf32, #tpu.memory_space<hbm>> -> memref<1x128x128xf32, #tpu.memory_space<hbm>>
        %dma_start3A_284 = tpu.memref_squeeze %dma_start3A_283 : memref<1x128x128xf32, #tpu.memory_space<hbm>> -> memref<128x128xf32, #tpu.memory_space<hbm>>
        %dma_start3A_285 = arith.constant 0 : i32
        %dma_start3A_286 = arith.constant 0 : i32
        %dma_start3A_287 = tpu.memref_slice %arg6[%dma_start3A_274, %dma_start3A_285, %dma_start3A_286] : memref<7x128x128xf32, #tpu.memory_space<vmem>> -> memref<1x128x128xf32, #tpu.memory_space<vmem>>
        %dma_start3A_288 = tpu.memref_squeeze %dma_start3A_287 : memref<1x128x128xf32, #tpu.memory_space<vmem>> -> memref<128x128xf32, #tpu.memory_space<vmem>>
        tpu.enqueue_dma source(%dma_start3A_288 : memref<128x128xf32, #tpu.memory_space<vmem>>) target(%dma_start3A_284 : memref<128x128xf32, #tpu.memory_space<hbm>>) target_semaphore(%arg17 : memref<!tpu.dma_semaphore, #tpu.memory_space<semaphore_mem>>)
        %add3A_289 = arith.constant 7 : i32
        %add3A_290 = arith.addi %add3A_230, %add3A_289 : i32
        %lt3A_291 = arith.constant 50 : i32
        %lt3A_292 = arith.cmpi slt, %add3A_290, %lt3A_291 : i32
        %convert_element_type3A_293 = arith.extui %lt3A_292 : i1 to i32
        %cond3A_294 = arith.constant 0 : i32
        %cond3A_295 = arith.cmpi ne, %convert_element_type3A_293, %cond3A_294 : i32
        scf.if %cond3A_295 {
          %dma_wait3A_296 = arith.constant 3 : i32
          %dma_wait3A_297 = arith.constant 0 : i32
          %dma_wait3A_298 = arith.constant 0 : i32
          %dma_wait3A_299 = tpu.memref_slice %arg6[%dma_wait3A_296, %dma_wait3A_297, %dma_wait3A_298] : memref<7x128x128xf32, #tpu.memory_space<vmem>> -> memref<1x128x128xf32, #tpu.memory_space<vmem>>
          %dma_wait3A_300 = tpu.memref_squeeze %dma_wait3A_299 : memref<1x128x128xf32, #tpu.memory_space<vmem>> -> memref<128x128xf32, #tpu.memory_space<vmem>>
          %dma_wait3A_301 = arith.constant 0 : i32
          %dma_wait3A_302 = tpu.memref_slice %arg4[%add3A_230, %mul3A_2, %dma_wait3A_301] : memref<50x4096x128xf32, #tpu.memory_space<hbm>> -> memref<1x128x128xf32, #tpu.memory_space<hbm>>
          %dma_wait3A_303 = tpu.memref_squeeze %dma_wait3A_302 : memref<1x128x128xf32, #tpu.memory_space<hbm>> -> memref<128x128xf32, #tpu.memory_space<hbm>>
          %dma_wait3A_304 = arith.constant 0 : i32
          %dma_wait3A_305 = tpu.memref_slice %arg4[%add3A_230, %mul3A_2, %dma_wait3A_304] : memref<50x4096x128xf32, #tpu.memory_space<hbm>> -> memref<1x128x128xf32, #tpu.memory_space<hbm>>
          %dma_wait3A_306 = tpu.memref_squeeze %dma_wait3A_305 : memref<1x128x128xf32, #tpu.memory_space<hbm>> -> memref<128x128xf32, #tpu.memory_space<hbm>>
          %dma_wait3A_307 = arith.constant 0 : i32
          %dma_wait3A_308 = arith.constant 0 : i32
          %dma_wait3A_309 = tpu.memref_slice %arg6[%dma_wait3A_296, %dma_wait3A_307, %dma_wait3A_308] : memref<7x128x128xf32, #tpu.memory_space<vmem>> -> memref<1x128x128xf32, #tpu.memory_space<vmem>>
          %dma_wait3A_310 = tpu.memref_squeeze %dma_wait3A_309 : memref<1x128x128xf32, #tpu.memory_space<vmem>> -> memref<128x128xf32, #tpu.memory_space<vmem>>
          tpu.wait_dma2 semaphore(%arg17 : memref<!tpu.dma_semaphore, #tpu.memory_space<semaphore_mem>>) src(%dma_wait3A_310 : memref<128x128xf32, #tpu.memory_space<vmem>>) dst(%dma_wait3A_306 : memref<128x128xf32, #tpu.memory_space<hbm>>)
          %add3A_311 = arith.constant 7 : i32
          %add3A_312 = arith.addi %add3A_230, %add3A_311 : i32
          %dma_start3A_313 = arith.constant 3 : i32
          %dma_start3A_314 = arith.constant 0 : i32
          %dma_start3A_315 = arith.constant 0 : i32
          %dma_start3A_316 = tpu.memref_slice %arg6[%dma_start3A_313, %dma_start3A_314, %dma_start3A_315] : memref<7x128x128xf32, #tpu.memory_space<vmem>> -> memref<1x128x128xf32, #tpu.memory_space<vmem>>
          %dma_start3A_317 = tpu.memref_squeeze %dma_start3A_316 : memref<1x128x128xf32, #tpu.memory_space<vmem>> -> memref<128x128xf32, #tpu.memory_space<vmem>>
          %dma_start3A_318 = arith.constant 0 : i32
          %dma_start3A_319 = tpu.memref_slice %arg5[%add3A_312, %dma_start3A_318] : memref<50x128xi32, #tpu.memory_space<vmem>> -> memref<1x128xi32, #tpu.memory_space<vmem>>
          %dma_start3A_320 = tpu.memref_squeeze %dma_start3A_319 : memref<1x128xi32, #tpu.memory_space<vmem>> -> memref<128xi32, #tpu.memory_space<vmem>>
          %dma_start3A_321 = arith.constant 0 : i32
          %dma_start3A_322 = arith.constant 0 : i32
          %dma_start3A_323 = tpu.memref_slice %arg3[%dma_start3A_321, %dma_start3A_322] : memref<100000x128xf32, #tpu.memory_space<hbm>> -> memref<100000x128xf32, #tpu.memory_space<hbm>>
          tpu.enqueue_indirect_dma source(%dma_start3A_323 : memref<100000x128xf32, #tpu.memory_space<hbm>>) target(%dma_start3A_317 : memref<128x128xf32, #tpu.memory_space<vmem>>) offsets(%dma_start3A_320 : memref<128xi32, #tpu.memory_space<vmem>>) semaphore(%arg10 : memref<!tpu.dma_semaphore, #tpu.memory_space<semaphore_mem>>)
        } else {
        }
      } else {
      }
      %mul3A_236 = arith.constant 7 : i32
      %mul3A_237 = arith.muli %scan3A_202, %mul3A_236 : i32
      %add3A_238 = arith.constant 4 : i32
      %add3A_239 = arith.addi %mul3A_237, %add3A_238 : i32
      %lt3A_240 = arith.constant 50 : i32
      %lt3A_241 = arith.cmpi slt, %add3A_239, %lt3A_240 : i32
      %convert_element_type3A_242 = arith.extui %lt3A_241 : i1 to i32
      %cond3A_243 = arith.constant 0 : i32
      %cond3A_244 = arith.cmpi ne, %convert_element_type3A_242, %cond3A_243 : i32
      scf.if %cond3A_244 {
        %dma_wait3A_263 = arith.constant 4 : i32
        %dma_wait3A_264 = arith.constant 0 : i32
        %dma_wait3A_265 = arith.constant 0 : i32
        %dma_wait3A_266 = tpu.memref_slice %arg6[%dma_wait3A_263, %dma_wait3A_264, %dma_wait3A_265] : memref<7x128x128xf32, #tpu.memory_space<vmem>> -> memref<1x128x128xf32, #tpu.memory_space<vmem>>
        %dma_wait3A_267 = tpu.memref_squeeze %dma_wait3A_266 : memref<1x128x128xf32, #tpu.memory_space<vmem>> -> memref<128x128xf32, #tpu.memory_space<vmem>>
        %dma_wait3A_268 = arith.constant 0 : i32
        %dma_wait3A_269 = tpu.memref_slice %arg5[%add3A_239, %dma_wait3A_268] : memref<50x128xi32, #tpu.memory_space<vmem>> -> memref<1x128xi32, #tpu.memory_space<vmem>>
        %dma_wait3A_270 = tpu.memref_squeeze %dma_wait3A_269 : memref<1x128xi32, #tpu.memory_space<vmem>> -> memref<128xi32, #tpu.memory_space<vmem>>
        %dma_wait3A_271 = arith.constant 0 : i32
        %dma_wait3A_272 = arith.constant 0 : i32
        %dma_wait3A_273 = tpu.memref_slice %arg3[%dma_wait3A_271, %dma_wait3A_272] : memref<100000x128xf32, #tpu.memory_space<hbm>> -> memref<100000x128xf32, #tpu.memory_space<hbm>>
        tpu.wait_indirect_dma semaphore(%arg11 : memref<!tpu.dma_semaphore, #tpu.memory_space<semaphore_mem>>) src(%dma_wait3A_273 : memref<100000x128xf32, #tpu.memory_space<hbm>>) dst(%dma_wait3A_267 : memref<128x128xf32, #tpu.memory_space<vmem>>)
        %dma_start3A_274 = arith.constant 4 : i32
        %dma_start3A_275 = arith.constant 0 : i32
        %dma_start3A_276 = arith.constant 0 : i32
        %dma_start3A_277 = tpu.memref_slice %arg6[%dma_start3A_274, %dma_start3A_275, %dma_start3A_276] : memref<7x128x128xf32, #tpu.memory_space<vmem>> -> memref<1x128x128xf32, #tpu.memory_space<vmem>>
        %dma_start3A_278 = tpu.memref_squeeze %dma_start3A_277 : memref<1x128x128xf32, #tpu.memory_space<vmem>> -> memref<128x128xf32, #tpu.memory_space<vmem>>
        %dma_start3A_279 = arith.constant 0 : i32
        %dma_start3A_280 = tpu.memref_slice %arg4[%add3A_239, %mul3A_2, %dma_start3A_279] : memref<50x4096x128xf32, #tpu.memory_space<hbm>> -> memref<1x128x128xf32, #tpu.memory_space<hbm>>
        %dma_start3A_281 = tpu.memref_squeeze %dma_start3A_280 : memref<1x128x128xf32, #tpu.memory_space<hbm>> -> memref<128x128xf32, #tpu.memory_space<hbm>>
        %dma_start3A_282 = arith.constant 0 : i32
        %dma_start3A_283 = tpu.memref_slice %arg4[%add3A_239, %mul3A_2, %dma_start3A_282] : memref<50x4096x128xf32, #tpu.memory_space<hbm>> -> memref<1x128x128xf32, #tpu.memory_space<hbm>>
        %dma_start3A_284 = tpu.memref_squeeze %dma_start3A_283 : memref<1x128x128xf32, #tpu.memory_space<hbm>> -> memref<128x128xf32, #tpu.memory_space<hbm>>
        %dma_start3A_285 = arith.constant 0 : i32
        %dma_start3A_286 = arith.constant 0 : i32
        %dma_start3A_287 = tpu.memref_slice %arg6[%dma_start3A_274, %dma_start3A_285, %dma_start3A_286] : memref<7x128x128xf32, #tpu.memory_space<vmem>> -> memref<1x128x128xf32, #tpu.memory_space<vmem>>
        %dma_start3A_288 = tpu.memref_squeeze %dma_start3A_287 : memref<1x128x128xf32, #tpu.memory_space<vmem>> -> memref<128x128xf32, #tpu.memory_space<vmem>>
        tpu.enqueue_dma source(%dma_start3A_288 : memref<128x128xf32, #tpu.memory_space<vmem>>) target(%dma_start3A_284 : memref<128x128xf32, #tpu.memory_space<hbm>>) target_semaphore(%arg18 : memref<!tpu.dma_semaphore, #tpu.memory_space<semaphore_mem>>)
        %add3A_289 = arith.constant 7 : i32
        %add3A_290 = arith.addi %add3A_239, %add3A_289 : i32
        %lt3A_291 = arith.constant 50 : i32
        %lt3A_292 = arith.cmpi slt, %add3A_290, %lt3A_291 : i32
        %convert_element_type3A_293 = arith.extui %lt3A_292 : i1 to i32
        %cond3A_294 = arith.constant 0 : i32
        %cond3A_295 = arith.cmpi ne, %convert_element_type3A_293, %cond3A_294 : i32
        scf.if %cond3A_295 {
          %dma_wait3A_296 = arith.constant 4 : i32
          %dma_wait3A_297 = arith.constant 0 : i32
          %dma_wait3A_298 = arith.constant 0 : i32
          %dma_wait3A_299 = tpu.memref_slice %arg6[%dma_wait3A_296, %dma_wait3A_297, %dma_wait3A_298] : memref<7x128x128xf32, #tpu.memory_space<vmem>> -> memref<1x128x128xf32, #tpu.memory_space<vmem>>
          %dma_wait3A_300 = tpu.memref_squeeze %dma_wait3A_299 : memref<1x128x128xf32, #tpu.memory_space<vmem>> -> memref<128x128xf32, #tpu.memory_space<vmem>>
          %dma_wait3A_301 = arith.constant 0 : i32
          %dma_wait3A_302 = tpu.memref_slice %arg4[%add3A_239, %mul3A_2, %dma_wait3A_301] : memref<50x4096x128xf32, #tpu.memory_space<hbm>> -> memref<1x128x128xf32, #tpu.memory_space<hbm>>
          %dma_wait3A_303 = tpu.memref_squeeze %dma_wait3A_302 : memref<1x128x128xf32, #tpu.memory_space<hbm>> -> memref<128x128xf32, #tpu.memory_space<hbm>>
          %dma_wait3A_304 = arith.constant 0 : i32
          %dma_wait3A_305 = tpu.memref_slice %arg4[%add3A_239, %mul3A_2, %dma_wait3A_304] : memref<50x4096x128xf32, #tpu.memory_space<hbm>> -> memref<1x128x128xf32, #tpu.memory_space<hbm>>
          %dma_wait3A_306 = tpu.memref_squeeze %dma_wait3A_305 : memref<1x128x128xf32, #tpu.memory_space<hbm>> -> memref<128x128xf32, #tpu.memory_space<hbm>>
          %dma_wait3A_307 = arith.constant 0 : i32
          %dma_wait3A_308 = arith.constant 0 : i32
          %dma_wait3A_309 = tpu.memref_slice %arg6[%dma_wait3A_296, %dma_wait3A_307, %dma_wait3A_308] : memref<7x128x128xf32, #tpu.memory_space<vmem>> -> memref<1x128x128xf32, #tpu.memory_space<vmem>>
          %dma_wait3A_310 = tpu.memref_squeeze %dma_wait3A_309 : memref<1x128x128xf32, #tpu.memory_space<vmem>> -> memref<128x128xf32, #tpu.memory_space<vmem>>
          tpu.wait_dma2 semaphore(%arg18 : memref<!tpu.dma_semaphore, #tpu.memory_space<semaphore_mem>>) src(%dma_wait3A_310 : memref<128x128xf32, #tpu.memory_space<vmem>>) dst(%dma_wait3A_306 : memref<128x128xf32, #tpu.memory_space<hbm>>)
          %add3A_311 = arith.constant 7 : i32
          %add3A_312 = arith.addi %add3A_239, %add3A_311 : i32
          %dma_start3A_313 = arith.constant 4 : i32
          %dma_start3A_314 = arith.constant 0 : i32
          %dma_start3A_315 = arith.constant 0 : i32
          %dma_start3A_316 = tpu.memref_slice %arg6[%dma_start3A_313, %dma_start3A_314, %dma_start3A_315] : memref<7x128x128xf32, #tpu.memory_space<vmem>> -> memref<1x128x128xf32, #tpu.memory_space<vmem>>
          %dma_start3A_317 = tpu.memref_squeeze %dma_start3A_316 : memref<1x128x128xf32, #tpu.memory_space<vmem>> -> memref<128x128xf32, #tpu.memory_space<vmem>>
          %dma_start3A_318 = arith.constant 0 : i32
          %dma_start3A_319 = tpu.memref_slice %arg5[%add3A_312, %dma_start3A_318] : memref<50x128xi32, #tpu.memory_space<vmem>> -> memref<1x128xi32, #tpu.memory_space<vmem>>
          %dma_start3A_320 = tpu.memref_squeeze %dma_start3A_319 : memref<1x128xi32, #tpu.memory_space<vmem>> -> memref<128xi32, #tpu.memory_space<vmem>>
          %dma_start3A_321 = arith.constant 0 : i32
          %dma_start3A_322 = arith.constant 0 : i32
          %dma_start3A_323 = tpu.memref_slice %arg3[%dma_start3A_321, %dma_start3A_322] : memref<100000x128xf32, #tpu.memory_space<hbm>> -> memref<100000x128xf32, #tpu.memory_space<hbm>>
          tpu.enqueue_indirect_dma source(%dma_start3A_323 : memref<100000x128xf32, #tpu.memory_space<hbm>>) target(%dma_start3A_317 : memref<128x128xf32, #tpu.memory_space<vmem>>) offsets(%dma_start3A_320 : memref<128xi32, #tpu.memory_space<vmem>>) semaphore(%arg11 : memref<!tpu.dma_semaphore, #tpu.memory_space<semaphore_mem>>)
        } else {
        }
      } else {
      }
      %mul3A_245 = arith.constant 7 : i32
      %mul3A_246 = arith.muli %scan3A_202, %mul3A_245 : i32
      %add3A_247 = arith.constant 5 : i32
      %add3A_248 = arith.addi %mul3A_246, %add3A_247 : i32
      %lt3A_249 = arith.constant 50 : i32
      %lt3A_250 = arith.cmpi slt, %add3A_248, %lt3A_249 : i32
      %convert_element_type3A_251 = arith.extui %lt3A_250 : i1 to i32
      %cond3A_252 = arith.constant 0 : i32
      %cond3A_253 = arith.cmpi ne, %convert_element_type3A_251, %cond3A_252 : i32
      scf.if %cond3A_253 {
        %dma_wait3A_263 = arith.constant 5 : i32
        %dma_wait3A_264 = arith.constant 0 : i32
        %dma_wait3A_265 = arith.constant 0 : i32
        %dma_wait3A_266 = tpu.memref_slice %arg6[%dma_wait3A_263, %dma_wait3A_264, %dma_wait3A_265] : memref<7x128x128xf32, #tpu.memory_space<vmem>> -> memref<1x128x128xf32, #tpu.memory_space<vmem>>
        %dma_wait3A_267 = tpu.memref_squeeze %dma_wait3A_266 : memref<1x128x128xf32, #tpu.memory_space<vmem>> -> memref<128x128xf32, #tpu.memory_space<vmem>>
        %dma_wait3A_268 = arith.constant 0 : i32
        %dma_wait3A_269 = tpu.memref_slice %arg5[%add3A_248, %dma_wait3A_268] : memref<50x128xi32, #tpu.memory_space<vmem>> -> memref<1x128xi32, #tpu.memory_space<vmem>>
        %dma_wait3A_270 = tpu.memref_squeeze %dma_wait3A_269 : memref<1x128xi32, #tpu.memory_space<vmem>> -> memref<128xi32, #tpu.memory_space<vmem>>
        %dma_wait3A_271 = arith.constant 0 : i32
        %dma_wait3A_272 = arith.constant 0 : i32
        %dma_wait3A_273 = tpu.memref_slice %arg3[%dma_wait3A_271, %dma_wait3A_272] : memref<100000x128xf32, #tpu.memory_space<hbm>> -> memref<100000x128xf32, #tpu.memory_space<hbm>>
        tpu.wait_indirect_dma semaphore(%arg12 : memref<!tpu.dma_semaphore, #tpu.memory_space<semaphore_mem>>) src(%dma_wait3A_273 : memref<100000x128xf32, #tpu.memory_space<hbm>>) dst(%dma_wait3A_267 : memref<128x128xf32, #tpu.memory_space<vmem>>)
        %dma_start3A_274 = arith.constant 5 : i32
        %dma_start3A_275 = arith.constant 0 : i32
        %dma_start3A_276 = arith.constant 0 : i32
        %dma_start3A_277 = tpu.memref_slice %arg6[%dma_start3A_274, %dma_start3A_275, %dma_start3A_276] : memref<7x128x128xf32, #tpu.memory_space<vmem>> -> memref<1x128x128xf32, #tpu.memory_space<vmem>>
        %dma_start3A_278 = tpu.memref_squeeze %dma_start3A_277 : memref<1x128x128xf32, #tpu.memory_space<vmem>> -> memref<128x128xf32, #tpu.memory_space<vmem>>
        %dma_start3A_279 = arith.constant 0 : i32
        %dma_start3A_280 = tpu.memref_slice %arg4[%add3A_248, %mul3A_2, %dma_start3A_279] : memref<50x4096x128xf32, #tpu.memory_space<hbm>> -> memref<1x128x128xf32, #tpu.memory_space<hbm>>
        %dma_start3A_281 = tpu.memref_squeeze %dma_start3A_280 : memref<1x128x128xf32, #tpu.memory_space<hbm>> -> memref<128x128xf32, #tpu.memory_space<hbm>>
        %dma_start3A_282 = arith.constant 0 : i32
        %dma_start3A_283 = tpu.memref_slice %arg4[%add3A_248, %mul3A_2, %dma_start3A_282] : memref<50x4096x128xf32, #tpu.memory_space<hbm>> -> memref<1x128x128xf32, #tpu.memory_space<hbm>>
        %dma_start3A_284 = tpu.memref_squeeze %dma_start3A_283 : memref<1x128x128xf32, #tpu.memory_space<hbm>> -> memref<128x128xf32, #tpu.memory_space<hbm>>
        %dma_start3A_285 = arith.constant 0 : i32
        %dma_start3A_286 = arith.constant 0 : i32
        %dma_start3A_287 = tpu.memref_slice %arg6[%dma_start3A_274, %dma_start3A_285, %dma_start3A_286] : memref<7x128x128xf32, #tpu.memory_space<vmem>> -> memref<1x128x128xf32, #tpu.memory_space<vmem>>
        %dma_start3A_288 = tpu.memref_squeeze %dma_start3A_287 : memref<1x128x128xf32, #tpu.memory_space<vmem>> -> memref<128x128xf32, #tpu.memory_space<vmem>>
        tpu.enqueue_dma source(%dma_start3A_288 : memref<128x128xf32, #tpu.memory_space<vmem>>) target(%dma_start3A_284 : memref<128x128xf32, #tpu.memory_space<hbm>>) target_semaphore(%arg19 : memref<!tpu.dma_semaphore, #tpu.memory_space<semaphore_mem>>)
        %add3A_289 = arith.constant 7 : i32
        %add3A_290 = arith.addi %add3A_248, %add3A_289 : i32
        %lt3A_291 = arith.constant 50 : i32
        %lt3A_292 = arith.cmpi slt, %add3A_290, %lt3A_291 : i32
        %convert_element_type3A_293 = arith.extui %lt3A_292 : i1 to i32
        %cond3A_294 = arith.constant 0 : i32
        %cond3A_295 = arith.cmpi ne, %convert_element_type3A_293, %cond3A_294 : i32
        scf.if %cond3A_295 {
          %dma_wait3A_296 = arith.constant 5 : i32
          %dma_wait3A_297 = arith.constant 0 : i32
          %dma_wait3A_298 = arith.constant 0 : i32
          %dma_wait3A_299 = tpu.memref_slice %arg6[%dma_wait3A_296, %dma_wait3A_297, %dma_wait3A_298] : memref<7x128x128xf32, #tpu.memory_space<vmem>> -> memref<1x128x128xf32, #tpu.memory_space<vmem>>
          %dma_wait3A_300 = tpu.memref_squeeze %dma_wait3A_299 : memref<1x128x128xf32, #tpu.memory_space<vmem>> -> memref<128x128xf32, #tpu.memory_space<vmem>>
          %dma_wait3A_301 = arith.constant 0 : i32
          %dma_wait3A_302 = tpu.memref_slice %arg4[%add3A_248, %mul3A_2, %dma_wait3A_301] : memref<50x4096x128xf32, #tpu.memory_space<hbm>> -> memref<1x128x128xf32, #tpu.memory_space<hbm>>
          %dma_wait3A_303 = tpu.memref_squeeze %dma_wait3A_302 : memref<1x128x128xf32, #tpu.memory_space<hbm>> -> memref<128x128xf32, #tpu.memory_space<hbm>>
          %dma_wait3A_304 = arith.constant 0 : i32
          %dma_wait3A_305 = tpu.memref_slice %arg4[%add3A_248, %mul3A_2, %dma_wait3A_304] : memref<50x4096x128xf32, #tpu.memory_space<hbm>> -> memref<1x128x128xf32, #tpu.memory_space<hbm>>
          %dma_wait3A_306 = tpu.memref_squeeze %dma_wait3A_305 : memref<1x128x128xf32, #tpu.memory_space<hbm>> -> memref<128x128xf32, #tpu.memory_space<hbm>>
          %dma_wait3A_307 = arith.constant 0 : i32
          %dma_wait3A_308 = arith.constant 0 : i32
          %dma_wait3A_309 = tpu.memref_slice %arg6[%dma_wait3A_296, %dma_wait3A_307, %dma_wait3A_308] : memref<7x128x128xf32, #tpu.memory_space<vmem>> -> memref<1x128x128xf32, #tpu.memory_space<vmem>>
          %dma_wait3A_310 = tpu.memref_squeeze %dma_wait3A_309 : memref<1x128x128xf32, #tpu.memory_space<vmem>> -> memref<128x128xf32, #tpu.memory_space<vmem>>
          tpu.wait_dma2 semaphore(%arg19 : memref<!tpu.dma_semaphore, #tpu.memory_space<semaphore_mem>>) src(%dma_wait3A_310 : memref<128x128xf32, #tpu.memory_space<vmem>>) dst(%dma_wait3A_306 : memref<128x128xf32, #tpu.memory_space<hbm>>)
          %add3A_311 = arith.constant 7 : i32
          %add3A_312 = arith.addi %add3A_248, %add3A_311 : i32
          %dma_start3A_313 = arith.constant 5 : i32
          %dma_start3A_314 = arith.constant 0 : i32
          %dma_start3A_315 = arith.constant 0 : i32
          %dma_start3A_316 = tpu.memref_slice %arg6[%dma_start3A_313, %dma_start3A_314, %dma_start3A_315] : memref<7x128x128xf32, #tpu.memory_space<vmem>> -> memref<1x128x128xf32, #tpu.memory_space<vmem>>
          %dma_start3A_317 = tpu.memref_squeeze %dma_start3A_316 : memref<1x128x128xf32, #tpu.memory_space<vmem>> -> memref<128x128xf32, #tpu.memory_space<vmem>>
          %dma_start3A_318 = arith.constant 0 : i32
          %dma_start3A_319 = tpu.memref_slice %arg5[%add3A_312, %dma_start3A_318] : memref<50x128xi32, #tpu.memory_space<vmem>> -> memref<1x128xi32, #tpu.memory_space<vmem>>
          %dma_start3A_320 = tpu.memref_squeeze %dma_start3A_319 : memref<1x128xi32, #tpu.memory_space<vmem>> -> memref<128xi32, #tpu.memory_space<vmem>>
          %dma_start3A_321 = arith.constant 0 : i32
          %dma_start3A_322 = arith.constant 0 : i32
          %dma_start3A_323 = tpu.memref_slice %arg3[%dma_start3A_321, %dma_start3A_322] : memref<100000x128xf32, #tpu.memory_space<hbm>> -> memref<100000x128xf32, #tpu.memory_space<hbm>>
          tpu.enqueue_indirect_dma source(%dma_start3A_323 : memref<100000x128xf32, #tpu.memory_space<hbm>>) target(%dma_start3A_317 : memref<128x128xf32, #tpu.memory_space<vmem>>) offsets(%dma_start3A_320 : memref<128xi32, #tpu.memory_space<vmem>>) semaphore(%arg12 : memref<!tpu.dma_semaphore, #tpu.memory_space<semaphore_mem>>)
        } else {
        }
      } else {
      }
      %mul3A_254 = arith.constant 7 : i32
      %mul3A_255 = arith.muli %scan3A_202, %mul3A_254 : i32
      %add3A_256 = arith.constant 6 : i32
      %add3A_257 = arith.addi %mul3A_255, %add3A_256 : i32
      %lt3A_258 = arith.constant 50 : i32
      %lt3A_259 = arith.cmpi slt, %add3A_257, %lt3A_258 : i32
      %convert_element_type3A_260 = arith.extui %lt3A_259 : i1 to i32
      %cond3A_261 = arith.constant 0 : i32
      %cond3A_262 = arith.cmpi ne, %convert_element_type3A_260, %cond3A_261 : i32
      scf.if %cond3A_262 {
        %dma_wait3A_263 = arith.constant 6 : i32
        %dma_wait3A_264 = arith.constant 0 : i32
        %dma_wait3A_265 = arith.constant 0 : i32
        %dma_wait3A_266 = tpu.memref_slice %arg6[%dma_wait3A_263, %dma_wait3A_264, %dma_wait3A_265] : memref<7x128x128xf32, #tpu.memory_space<vmem>> -> memref<1x128x128xf32, #tpu.memory_space<vmem>>
        %dma_wait3A_267 = tpu.memref_squeeze %dma_wait3A_266 : memref<1x128x128xf32, #tpu.memory_space<vmem>> -> memref<128x128xf32, #tpu.memory_space<vmem>>
        %dma_wait3A_268 = arith.constant 0 : i32
        %dma_wait3A_269 = tpu.memref_slice %arg5[%add3A_257, %dma_wait3A_268] : memref<50x128xi32, #tpu.memory_space<vmem>> -> memref<1x128xi32, #tpu.memory_space<vmem>>
        %dma_wait3A_270 = tpu.memref_squeeze %dma_wait3A_269 : memref<1x128xi32, #tpu.memory_space<vmem>> -> memref<128xi32, #tpu.memory_space<vmem>>
        %dma_wait3A_271 = arith.constant 0 : i32
        %dma_wait3A_272 = arith.constant 0 : i32
        %dma_wait3A_273 = tpu.memref_slice %arg3[%dma_wait3A_271, %dma_wait3A_272] : memref<100000x128xf32, #tpu.memory_space<hbm>> -> memref<100000x128xf32, #tpu.memory_space<hbm>>
        tpu.wait_indirect_dma semaphore(%arg13 : memref<!tpu.dma_semaphore, #tpu.memory_space<semaphore_mem>>) src(%dma_wait3A_273 : memref<100000x128xf32, #tpu.memory_space<hbm>>) dst(%dma_wait3A_267 : memref<128x128xf32, #tpu.memory_space<vmem>>)
        %dma_start3A_274 = arith.constant 6 : i32
        %dma_start3A_275 = arith.constant 0 : i32
        %dma_start3A_276 = arith.constant 0 : i32
        %dma_start3A_277 = tpu.memref_slice %arg6[%dma_start3A_274, %dma_start3A_275, %dma_start3A_276] : memref<7x128x128xf32, #tpu.memory_space<vmem>> -> memref<1x128x128xf32, #tpu.memory_space<vmem>>
        %dma_start3A_278 = tpu.memref_squeeze %dma_start3A_277 : memref<1x128x128xf32, #tpu.memory_space<vmem>> -> memref<128x128xf32, #tpu.memory_space<vmem>>
        %dma_start3A_279 = arith.constant 0 : i32
        %dma_start3A_280 = tpu.memref_slice %arg4[%add3A_257, %mul3A_2, %dma_start3A_279] : memref<50x4096x128xf32, #tpu.memory_space<hbm>> -> memref<1x128x128xf32, #tpu.memory_space<hbm>>
        %dma_start3A_281 = tpu.memref_squeeze %dma_start3A_280 : memref<1x128x128xf32, #tpu.memory_space<hbm>> -> memref<128x128xf32, #tpu.memory_space<hbm>>
        %dma_start3A_282 = arith.constant 0 : i32
        %dma_start3A_283 = tpu.memref_slice %arg4[%add3A_257, %mul3A_2, %dma_start3A_282] : memref<50x4096x128xf32, #tpu.memory_space<hbm>> -> memref<1x128x128xf32, #tpu.memory_space<hbm>>
        %dma_start3A_284 = tpu.memref_squeeze %dma_start3A_283 : memref<1x128x128xf32, #tpu.memory_space<hbm>> -> memref<128x128xf32, #tpu.memory_space<hbm>>
        %dma_start3A_285 = arith.constant 0 : i32
        %dma_start3A_286 = arith.constant 0 : i32
        %dma_start3A_287 = tpu.memref_slice %arg6[%dma_start3A_274, %dma_start3A_285, %dma_start3A_286] : memref<7x128x128xf32, #tpu.memory_space<vmem>> -> memref<1x128x128xf32, #tpu.memory_space<vmem>>
        %dma_start3A_288 = tpu.memref_squeeze %dma_start3A_287 : memref<1x128x128xf32, #tpu.memory_space<vmem>> -> memref<128x128xf32, #tpu.memory_space<vmem>>
        tpu.enqueue_dma source(%dma_start3A_288 : memref<128x128xf32, #tpu.memory_space<vmem>>) target(%dma_start3A_284 : memref<128x128xf32, #tpu.memory_space<hbm>>) target_semaphore(%arg20 : memref<!tpu.dma_semaphore, #tpu.memory_space<semaphore_mem>>)
        %add3A_289 = arith.constant 7 : i32
        %add3A_290 = arith.addi %add3A_257, %add3A_289 : i32
        %lt3A_291 = arith.constant 50 : i32
        %lt3A_292 = arith.cmpi slt, %add3A_290, %lt3A_291 : i32
        %convert_element_type3A_293 = arith.extui %lt3A_292 : i1 to i32
        %cond3A_294 = arith.constant 0 : i32
        %cond3A_295 = arith.cmpi ne, %convert_element_type3A_293, %cond3A_294 : i32
        scf.if %cond3A_295 {
          %dma_wait3A_296 = arith.constant 6 : i32
          %dma_wait3A_297 = arith.constant 0 : i32
          %dma_wait3A_298 = arith.constant 0 : i32
          %dma_wait3A_299 = tpu.memref_slice %arg6[%dma_wait3A_296, %dma_wait3A_297, %dma_wait3A_298] : memref<7x128x128xf32, #tpu.memory_space<vmem>> -> memref<1x128x128xf32, #tpu.memory_space<vmem>>
          %dma_wait3A_300 = tpu.memref_squeeze %dma_wait3A_299 : memref<1x128x128xf32, #tpu.memory_space<vmem>> -> memref<128x128xf32, #tpu.memory_space<vmem>>
          %dma_wait3A_301 = arith.constant 0 : i32
          %dma_wait3A_302 = tpu.memref_slice %arg4[%add3A_257, %mul3A_2, %dma_wait3A_301] : memref<50x4096x128xf32, #tpu.memory_space<hbm>> -> memref<1x128x128xf32, #tpu.memory_space<hbm>>
          %dma_wait3A_303 = tpu.memref_squeeze %dma_wait3A_302 : memref<1x128x128xf32, #tpu.memory_space<hbm>> -> memref<128x128xf32, #tpu.memory_space<hbm>>
          %dma_wait3A_304 = arith.constant 0 : i32
          %dma_wait3A_305 = tpu.memref_slice %arg4[%add3A_257, %mul3A_2, %dma_wait3A_304] : memref<50x4096x128xf32, #tpu.memory_space<hbm>> -> memref<1x128x128xf32, #tpu.memory_space<hbm>>
          %dma_wait3A_306 = tpu.memref_squeeze %dma_wait3A_305 : memref<1x128x128xf32, #tpu.memory_space<hbm>> -> memref<128x128xf32, #tpu.memory_space<hbm>>
          %dma_wait3A_307 = arith.constant 0 : i32
          %dma_wait3A_308 = arith.constant 0 : i32
          %dma_wait3A_309 = tpu.memref_slice %arg6[%dma_wait3A_296, %dma_wait3A_307, %dma_wait3A_308] : memref<7x128x128xf32, #tpu.memory_space<vmem>> -> memref<1x128x128xf32, #tpu.memory_space<vmem>>
          %dma_wait3A_310 = tpu.memref_squeeze %dma_wait3A_309 : memref<1x128x128xf32, #tpu.memory_space<vmem>> -> memref<128x128xf32, #tpu.memory_space<vmem>>
          tpu.wait_dma2 semaphore(%arg20 : memref<!tpu.dma_semaphore, #tpu.memory_space<semaphore_mem>>) src(%dma_wait3A_310 : memref<128x128xf32, #tpu.memory_space<vmem>>) dst(%dma_wait3A_306 : memref<128x128xf32, #tpu.memory_space<hbm>>)
          %add3A_311 = arith.constant 7 : i32
          %add3A_312 = arith.addi %add3A_257, %add3A_311 : i32
          %dma_start3A_313 = arith.constant 6 : i32
          %dma_start3A_314 = arith.constant 0 : i32
          %dma_start3A_315 = arith.constant 0 : i32
          %dma_start3A_316 = tpu.memref_slice %arg6[%dma_start3A_313, %dma_start3A_314, %dma_start3A_315] : memref<7x128x128xf32, #tpu.memory_space<vmem>> -> memref<1x128x128xf32, #tpu.memory_space<vmem>>
          %dma_start3A_317 = tpu.memref_squeeze %dma_start3A_316 : memref<1x128x128xf32, #tpu.memory_space<vmem>> -> memref<128x128xf32, #tpu.memory_space<vmem>>
          %dma_start3A_318 = arith.constant 0 : i32
          %dma_start3A_319 = tpu.memref_slice %arg5[%add3A_312, %dma_start3A_318] : memref<50x128xi32, #tpu.memory_space<vmem>> -> memref<1x128xi32, #tpu.memory_space<vmem>>
          %dma_start3A_320 = tpu.memref_squeeze %dma_start3A_319 : memref<1x128xi32, #tpu.memory_space<vmem>> -> memref<128xi32, #tpu.memory_space<vmem>>
          %dma_start3A_321 = arith.constant 0 : i32
          %dma_start3A_322 = arith.constant 0 : i32
          %dma_start3A_323 = tpu.memref_slice %arg3[%dma_start3A_321, %dma_start3A_322] : memref<100000x128xf32, #tpu.memory_space<hbm>> -> memref<100000x128xf32, #tpu.memory_space<hbm>>
          tpu.enqueue_indirect_dma source(%dma_start3A_323 : memref<100000x128xf32, #tpu.memory_space<hbm>>) target(%dma_start3A_317 : memref<128x128xf32, #tpu.memory_space<vmem>>) offsets(%dma_start3A_320 : memref<128xi32, #tpu.memory_space<vmem>>) semaphore(%arg13 : memref<!tpu.dma_semaphore, #tpu.memory_space<semaphore_mem>>)
        } else {
        }
      } else {
      }
    }
    %scan3A_90 = arith.constant 8 : i32
    %dma_wait3A = arith.constant 1 : i32
    %dma_wait3A_91 = arith.constant 43 : i32
    %dma_wait3A_92 = arith.constant 0 : i32
    %dma_wait3A_93 = arith.constant 0 : i32
    %dma_wait3A_94 = tpu.memref_slice %arg6[%dma_wait3A, %dma_wait3A_92, %dma_wait3A_93] : memref<7x128x128xf32, #tpu.memory_space<vmem>> -> memref<1x128x128xf32, #tpu.memory_space<vmem>>
    %dma_wait3A_95 = tpu.memref_squeeze %dma_wait3A_94 : memref<1x128x128xf32, #tpu.memory_space<vmem>> -> memref<128x128xf32, #tpu.memory_space<vmem>>
    %dma_wait3A_96 = arith.constant 0 : i32
    %dma_wait3A_97 = tpu.memref_slice %arg4[%dma_wait3A_91, %mul3A_2, %dma_wait3A_96] : memref<50x4096x128xf32, #tpu.memory_space<hbm>> -> memref<1x128x128xf32, #tpu.memory_space<hbm>>
    %dma_wait3A_98 = tpu.memref_squeeze %dma_wait3A_97 : memref<1x128x128xf32, #tpu.memory_space<hbm>> -> memref<128x128xf32, #tpu.memory_space<hbm>>
    %dma_wait3A_99 = arith.constant 0 : i32
    %dma_wait3A_100 = tpu.memref_slice %arg4[%dma_wait3A_91, %mul3A_2, %dma_wait3A_99] : memref<50x4096x128xf32, #tpu.memory_space<hbm>> -> memref<1x128x128xf32, #tpu.memory_space<hbm>>
    %dma_wait3A_101 = tpu.memref_squeeze %dma_wait3A_100 : memref<1x128x128xf32, #tpu.memory_space<hbm>> -> memref<128x128xf32, #tpu.memory_space<hbm>>
    %dma_wait3A_102 = arith.constant 0 : i32
    %dma_wait3A_103 = arith.constant 0 : i32
    %dma_wait3A_104 = tpu.memref_slice %arg6[%dma_wait3A, %dma_wait3A_102, %dma_wait3A_103] : memref<7x128x128xf32, #tpu.memory_space<vmem>> -> memref<1x128x128xf32, #tpu.memory_space<vmem>>
    %dma_wait3A_105 = tpu.memref_squeeze %dma_wait3A_104 : memref<1x128x128xf32, #tpu.memory_space<vmem>> -> memref<128x128xf32, #tpu.memory_space<vmem>>
    tpu.wait_dma2 semaphore(%arg15 : memref<!tpu.dma_semaphore, #tpu.memory_space<semaphore_mem>>) src(%dma_wait3A_105 : memref<128x128xf32, #tpu.memory_space<vmem>>) dst(%dma_wait3A_101 : memref<128x128xf32, #tpu.memory_space<hbm>>)
    %dma_wait3A_106 = arith.constant 2 : i32
    %dma_wait3A_107 = arith.constant 44 : i32
    %dma_wait3A_108 = arith.constant 0 : i32
    %dma_wait3A_109 = arith.constant 0 : i32
    %dma_wait3A_110 = tpu.memref_slice %arg6[%dma_wait3A_106, %dma_wait3A_108, %dma_wait3A_109] : memref<7x128x128xf32, #tpu.memory_space<vmem>> -> memref<1x128x128xf32, #tpu.memory_space<vmem>>
    %dma_wait3A_111 = tpu.memref_squeeze %dma_wait3A_110 : memref<1x128x128xf32, #tpu.memory_space<vmem>> -> memref<128x128xf32, #tpu.memory_space<vmem>>
    %dma_wait3A_112 = arith.constant 0 : i32
    %dma_wait3A_113 = tpu.memref_slice %arg4[%dma_wait3A_107, %mul3A_2, %dma_wait3A_112] : memref<50x4096x128xf32, #tpu.memory_space<hbm>> -> memref<1x128x128xf32, #tpu.memory_space<hbm>>
    %dma_wait3A_114 = tpu.memref_squeeze %dma_wait3A_113 : memref<1x128x128xf32, #tpu.memory_space<hbm>> -> memref<128x128xf32, #tpu.memory_space<hbm>>
    %dma_wait3A_115 = arith.constant 0 : i32
    %dma_wait3A_116 = tpu.memref_slice %arg4[%dma_wait3A_107, %mul3A_2, %dma_wait3A_115] : memref<50x4096x128xf32, #tpu.memory_space<hbm>> -> memref<1x128x128xf32, #tpu.memory_space<hbm>>
    %dma_wait3A_117 = tpu.memref_squeeze %dma_wait3A_116 : memref<1x128x128xf32, #tpu.memory_space<hbm>> -> memref<128x128xf32, #tpu.memory_space<hbm>>
    %dma_wait3A_118 = arith.constant 0 : i32
    %dma_wait3A_119 = arith.constant 0 : i32
    %dma_wait3A_120 = tpu.memref_slice %arg6[%dma_wait3A_106, %dma_wait3A_118, %dma_wait3A_119] : memref<7x128x128xf32, #tpu.memory_space<vmem>> -> memref<1x128x128xf32, #tpu.memory_space<vmem>>
    %dma_wait3A_121 = tpu.memref_squeeze %dma_wait3A_120 : memref<1x128x128xf32, #tpu.memory_space<vmem>> -> memref<128x128xf32, #tpu.memory_space<vmem>>
    tpu.wait_dma2 semaphore(%arg16 : memref<!tpu.dma_semaphore, #tpu.memory_space<semaphore_mem>>) src(%dma_wait3A_121 : memref<128x128xf32, #tpu.memory_space<vmem>>) dst(%dma_wait3A_117 : memref<128x128xf32, #tpu.memory_space<hbm>>)
    %dma_wait3A_122 = arith.constant 3 : i32
    %dma_wait3A_123 = arith.constant 45 : i32
    %dma_wait3A_124 = arith.constant 0 : i32
    %dma_wait3A_125 = arith.constant 0 : i32
    %dma_wait3A_126 = tpu.memref_slice %arg6[%dma_wait3A_122, %dma_wait3A_124, %dma_wait3A_125] : memref<7x128x128xf32, #tpu.memory_space<vmem>> -> memref<1x128x128xf32, #tpu.memory_space<vmem>>
    %dma_wait3A_127 = tpu.memref_squeeze %dma_wait3A_126 : memref<1x128x128xf32, #tpu.memory_space<vmem>> -> memref<128x128xf32, #tpu.memory_space<vmem>>
    %dma_wait3A_128 = arith.constant 0 : i32
    %dma_wait3A_129 = tpu.memref_slice %arg4[%dma_wait3A_123, %mul3A_2, %dma_wait3A_128] : memref<50x4096x128xf32, #tpu.memory_space<hbm>> -> memref<1x128x128xf32, #tpu.memory_space<hbm>>
    %dma_wait3A_130 = tpu.memref_squeeze %dma_wait3A_129 : memref<1x128x128xf32, #tpu.memory_space<hbm>> -> memref<128x128xf32, #tpu.memory_space<hbm>>
    %dma_wait3A_131 = arith.constant 0 : i32
    %dma_wait3A_132 = tpu.memref_slice %arg4[%dma_wait3A_123, %mul3A_2, %dma_wait3A_131] : memref<50x4096x128xf32, #tpu.memory_space<hbm>> -> memref<1x128x128xf32, #tpu.memory_space<hbm>>
    %dma_wait3A_133 = tpu.memref_squeeze %dma_wait3A_132 : memref<1x128x128xf32, #tpu.memory_space<hbm>> -> memref<128x128xf32, #tpu.memory_space<hbm>>
    %dma_wait3A_134 = arith.constant 0 : i32
    %dma_wait3A_135 = arith.constant 0 : i32
    %dma_wait3A_136 = tpu.memref_slice %arg6[%dma_wait3A_122, %dma_wait3A_134, %dma_wait3A_135] : memref<7x128x128xf32, #tpu.memory_space<vmem>> -> memref<1x128x128xf32, #tpu.memory_space<vmem>>
    %dma_wait3A_137 = tpu.memref_squeeze %dma_wait3A_136 : memref<1x128x128xf32, #tpu.memory_space<vmem>> -> memref<128x128xf32, #tpu.memory_space<vmem>>
    tpu.wait_dma2 semaphore(%arg17 : memref<!tpu.dma_semaphore, #tpu.memory_space<semaphore_mem>>) src(%dma_wait3A_137 : memref<128x128xf32, #tpu.memory_space<vmem>>) dst(%dma_wait3A_133 : memref<128x128xf32, #tpu.memory_space<hbm>>)
    %dma_wait3A_138 = arith.constant 4 : i32
    %dma_wait3A_139 = arith.constant 46 : i32
    %dma_wait3A_140 = arith.constant 0 : i32
    %dma_wait3A_141 = arith.constant 0 : i32
    %dma_wait3A_142 = tpu.memref_slice %arg6[%dma_wait3A_138, %dma_wait3A_140, %dma_wait3A_141] : memref<7x128x128xf32, #tpu.memory_space<vmem>> -> memref<1x128x128xf32, #tpu.memory_space<vmem>>
    %dma_wait3A_143 = tpu.memref_squeeze %dma_wait3A_142 : memref<1x128x128xf32, #tpu.memory_space<vmem>> -> memref<128x128xf32, #tpu.memory_space<vmem>>
    %dma_wait3A_144 = arith.constant 0 : i32
    %dma_wait3A_145 = tpu.memref_slice %arg4[%dma_wait3A_139, %mul3A_2, %dma_wait3A_144] : memref<50x4096x128xf32, #tpu.memory_space<hbm>> -> memref<1x128x128xf32, #tpu.memory_space<hbm>>
    %dma_wait3A_146 = tpu.memref_squeeze %dma_wait3A_145 : memref<1x128x128xf32, #tpu.memory_space<hbm>> -> memref<128x128xf32, #tpu.memory_space<hbm>>
    %dma_wait3A_147 = arith.constant 0 : i32
    %dma_wait3A_148 = tpu.memref_slice %arg4[%dma_wait3A_139, %mul3A_2, %dma_wait3A_147] : memref<50x4096x128xf32, #tpu.memory_space<hbm>> -> memref<1x128x128xf32, #tpu.memory_space<hbm>>
    %dma_wait3A_149 = tpu.memref_squeeze %dma_wait3A_148 : memref<1x128x128xf32, #tpu.memory_space<hbm>> -> memref<128x128xf32, #tpu.memory_space<hbm>>
    %dma_wait3A_150 = arith.constant 0 : i32
    %dma_wait3A_151 = arith.constant 0 : i32
    %dma_wait3A_152 = tpu.memref_slice %arg6[%dma_wait3A_138, %dma_wait3A_150, %dma_wait3A_151] : memref<7x128x128xf32, #tpu.memory_space<vmem>> -> memref<1x128x128xf32, #tpu.memory_space<vmem>>
    %dma_wait3A_153 = tpu.memref_squeeze %dma_wait3A_152 : memref<1x128x128xf32, #tpu.memory_space<vmem>> -> memref<128x128xf32, #tpu.memory_space<vmem>>
    tpu.wait_dma2 semaphore(%arg18 : memref<!tpu.dma_semaphore, #tpu.memory_space<semaphore_mem>>) src(%dma_wait3A_153 : memref<128x128xf32, #tpu.memory_space<vmem>>) dst(%dma_wait3A_149 : memref<128x128xf32, #tpu.memory_space<hbm>>)
    %dma_wait3A_154 = arith.constant 5 : i32
    %dma_wait3A_155 = arith.constant 47 : i32
    %dma_wait3A_156 = arith.constant 0 : i32
    %dma_wait3A_157 = arith.constant 0 : i32
    %dma_wait3A_158 = tpu.memref_slice %arg6[%dma_wait3A_154, %dma_wait3A_156, %dma_wait3A_157] : memref<7x128x128xf32, #tpu.memory_space<vmem>> -> memref<1x128x128xf32, #tpu.memory_space<vmem>>
    %dma_wait3A_159 = tpu.memref_squeeze %dma_wait3A_158 : memref<1x128x128xf32, #tpu.memory_space<vmem>> -> memref<128x128xf32, #tpu.memory_space<vmem>>
    %dma_wait3A_160 = arith.constant 0 : i32
    %dma_wait3A_161 = tpu.memref_slice %arg4[%dma_wait3A_155, %mul3A_2, %dma_wait3A_160] : memref<50x4096x128xf32, #tpu.memory_space<hbm>> -> memref<1x128x128xf32, #tpu.memory_space<hbm>>
    %dma_wait3A_162 = tpu.memref_squeeze %dma_wait3A_161 : memref<1x128x128xf32, #tpu.memory_space<hbm>> -> memref<128x128xf32, #tpu.memory_space<hbm>>
    %dma_wait3A_163 = arith.constant 0 : i32
    %dma_wait3A_164 = tpu.memref_slice %arg4[%dma_wait3A_155, %mul3A_2, %dma_wait3A_163] : memref<50x4096x128xf32, #tpu.memory_space<hbm>> -> memref<1x128x128xf32, #tpu.memory_space<hbm>>
    %dma_wait3A_165 = tpu.memref_squeeze %dma_wait3A_164 : memref<1x128x128xf32, #tpu.memory_space<hbm>> -> memref<128x128xf32, #tpu.memory_space<hbm>>
    %dma_wait3A_166 = arith.constant 0 : i32
    %dma_wait3A_167 = arith.constant 0 : i32
    %dma_wait3A_168 = tpu.memref_slice %arg6[%dma_wait3A_154, %dma_wait3A_166, %dma_wait3A_167] : memref<7x128x128xf32, #tpu.memory_space<vmem>> -> memref<1x128x128xf32, #tpu.memory_space<vmem>>
    %dma_wait3A_169 = tpu.memref_squeeze %dma_wait3A_168 : memref<1x128x128xf32, #tpu.memory_space<vmem>> -> memref<128x128xf32, #tpu.memory_space<vmem>>
    tpu.wait_dma2 semaphore(%arg19 : memref<!tpu.dma_semaphore, #tpu.memory_space<semaphore_mem>>) src(%dma_wait3A_169 : memref<128x128xf32, #tpu.memory_space<vmem>>) dst(%dma_wait3A_165 : memref<128x128xf32, #tpu.memory_space<hbm>>)
    %dma_wait3A_170 = arith.constant 6 : i32
    %dma_wait3A_171 = arith.constant 48 : i32
    %dma_wait3A_172 = arith.constant 0 : i32
    %dma_wait3A_173 = arith.constant 0 : i32
    %dma_wait3A_174 = tpu.memref_slice %arg6[%dma_wait3A_170, %dma_wait3A_172, %dma_wait3A_173] : memref<7x128x128xf32, #tpu.memory_space<vmem>> -> memref<1x128x128xf32, #tpu.memory_space<vmem>>
    %dma_wait3A_175 = tpu.memref_squeeze %dma_wait3A_174 : memref<1x128x128xf32, #tpu.memory_space<vmem>> -> memref<128x128xf32, #tpu.memory_space<vmem>>
    %dma_wait3A_176 = arith.constant 0 : i32
    %dma_wait3A_177 = tpu.memref_slice %arg4[%dma_wait3A_171, %mul3A_2, %dma_wait3A_176] : memref<50x4096x128xf32, #tpu.memory_space<hbm>> -> memref<1x128x128xf32, #tpu.memory_space<hbm>>
    %dma_wait3A_178 = tpu.memref_squeeze %dma_wait3A_177 : memref<1x128x128xf32, #tpu.memory_space<hbm>> -> memref<128x128xf32, #tpu.memory_space<hbm>>
    %dma_wait3A_179 = arith.constant 0 : i32
    %dma_wait3A_180 = tpu.memref_slice %arg4[%dma_wait3A_171, %mul3A_2, %dma_wait3A_179] : memref<50x4096x128xf32, #tpu.memory_space<hbm>> -> memref<1x128x128xf32, #tpu.memory_space<hbm>>
    %dma_wait3A_181 = tpu.memref_squeeze %dma_wait3A_180 : memref<1x128x128xf32, #tpu.memory_space<hbm>> -> memref<128x128xf32, #tpu.memory_space<hbm>>
    %dma_wait3A_182 = arith.constant 0 : i32
    %dma_wait3A_183 = arith.constant 0 : i32
    %dma_wait3A_184 = tpu.memref_slice %arg6[%dma_wait3A_170, %dma_wait3A_182, %dma_wait3A_183] : memref<7x128x128xf32, #tpu.memory_space<vmem>> -> memref<1x128x128xf32, #tpu.memory_space<vmem>>
    %dma_wait3A_185 = tpu.memref_squeeze %dma_wait3A_184 : memref<1x128x128xf32, #tpu.memory_space<vmem>> -> memref<128x128xf32, #tpu.memory_space<vmem>>
    tpu.wait_dma2 semaphore(%arg20 : memref<!tpu.dma_semaphore, #tpu.memory_space<semaphore_mem>>) src(%dma_wait3A_185 : memref<128x128xf32, #tpu.memory_space<vmem>>) dst(%dma_wait3A_181 : memref<128x128xf32, #tpu.memory_space<hbm>>)
    %dma_wait3A_186 = arith.constant 0 : i32
    %dma_wait3A_187 = arith.constant 49 : i32
    %dma_wait3A_188 = arith.constant 0 : i32
    %dma_wait3A_189 = arith.constant 0 : i32
    %dma_wait3A_190 = tpu.memref_slice %arg6[%dma_wait3A_186, %dma_wait3A_188, %dma_wait3A_189] : memref<7x128x128xf32, #tpu.memory_space<vmem>> -> memref<1x128x128xf32, #tpu.memory_space<vmem>>
    %dma_wait3A_191 = tpu.memref_squeeze %dma_wait3A_190 : memref<1x128x128xf32, #tpu.memory_space<vmem>> -> memref<128x128xf32, #tpu.memory_space<vmem>>
    %dma_wait3A_192 = arith.constant 0 : i32
    %dma_wait3A_193 = tpu.memref_slice %arg4[%dma_wait3A_187, %mul3A_2, %dma_wait3A_192] : memref<50x4096x128xf32, #tpu.memory_space<hbm>> -> memref<1x128x128xf32, #tpu.memory_space<hbm>>
    %dma_wait3A_194 = tpu.memref_squeeze %dma_wait3A_193 : memref<1x128x128xf32, #tpu.memory_space<hbm>> -> memref<128x128xf32, #tpu.memory_space<hbm>>
    %dma_wait3A_195 = arith.constant 0 : i32
    %dma_wait3A_196 = tpu.memref_slice %arg4[%dma_wait3A_187, %mul3A_2, %dma_wait3A_195] : memref<50x4096x128xf32, #tpu.memory_space<hbm>> -> memref<1x128x128xf32, #tpu.memory_space<hbm>>
    %dma_wait3A_197 = tpu.memref_squeeze %dma_wait3A_196 : memref<1x128x128xf32, #tpu.memory_space<hbm>> -> memref<128x128xf32, #tpu.memory_space<hbm>>
    %dma_wait3A_198 = arith.constant 0 : i32
    %dma_wait3A_199 = arith.constant 0 : i32
    %dma_wait3A_200 = tpu.memref_slice %arg6[%dma_wait3A_186, %dma_wait3A_198, %dma_wait3A_199] : memref<7x128x128xf32, #tpu.memory_space<vmem>> -> memref<1x128x128xf32, #tpu.memory_space<vmem>>
    %dma_wait3A_201 = tpu.memref_squeeze %dma_wait3A_200 : memref<1x128x128xf32, #tpu.memory_space<vmem>> -> memref<128x128xf32, #tpu.memory_space<vmem>>
    tpu.wait_dma2 semaphore(%arg14 : memref<!tpu.dma_semaphore, #tpu.memory_space<semaphore_mem>>) src(%dma_wait3A_201 : memref<128x128xf32, #tpu.memory_space<vmem>>) dst(%dma_wait3A_197 : memref<128x128xf32, #tpu.memory_space<hbm>>)
    return
  }
}

module attributes {stable_mosaic.version = 14 : i64} {
  func.func @mm(%arg0: i32, %arg1: memref<64x16384xf32, #tpu.memory_space<vmem>>, %arg2: memref<64x128xf32, #tpu.memory_space<vmem>>, %arg3: memref<16384x128xf32, #tpu.memory_space<vmem>>) attributes {dimension_semantics = [#tpu.dimension_semantics<arbitrary>], iteration_bounds = array<i64: 7>, scalar_prefetch = 0 : i64, scratch_operands = 0 : i64, tpu.core_type = #tpu.core_type<tc>, window_params = [{transform_indices = @transform_0, window_bounds = array<i64: 64, 16384>}, {pipeline_mode = #tpu.pipeline_mode<synchronous>, transform_indices = @transform_1, window_bounds = array<i64: 64, 128>}, {transform_indices = @transform_2, window_bounds = array<i64: 16384, 128>}]} {
    %get3A = arith.constant 0 : index
    %get3A_0 = arith.constant 0 : index
    %get3A_1 = vector.load %arg1[%get3A, %get3A_0] : memref<64x16384xf32, #tpu.memory_space<vmem>>, vector<64x16384xf32>
    %get3A_2 = arith.constant 0 : index
    %get3A_3 = arith.constant 0 : index
    %get3A_4 = vector.load %arg2[%get3A_2, %get3A_3] : memref<64x128xf32, #tpu.memory_space<vmem>>, vector<64x128xf32>
    %dot_general3A = arith.constant dense<0.000000e+00> : vector<16384x128xf32>
    %dot_general3A_5 = tpu.matmul %get3A_1, %get3A_4, %dot_general3A {dimension_numbers = #tpu.dot_dimension_numbers<[0], [0], [1], [1], [0, 1, 1, 1], [], []>, transpose_lhs_hint = false} : vector<64x16384xf32>, vector<64x128xf32>, vector<16384x128xf32> -> vector<16384x128xf32>
    %swap3A = arith.constant 0 : index
    %swap3A_6 = arith.constant 0 : index
    %swap3A_7 = vector.load %arg3[%swap3A, %swap3A_6] : memref<16384x128xf32, #tpu.memory_space<vmem>>, vector<16384x128xf32>
    tpu.vector_store %arg3[%swap3A, %swap3A_6], %dot_general3A_5 {strides = array<i32>} : memref<16384x128xf32, #tpu.memory_space<vmem>>, vector<16384x128xf32>,
    return
  }
  func.func @transform_0(%arg0: i32) -> (i32, i32) {
    %c0_i32 = arith.constant 0 : i32
    %c0_i32_0 = arith.constant 0 : i32
    return %c0_i32, %arg0 : i32, i32
  }
  func.func @transform_1(%arg0: i32) -> (i32, i32) {
    %c0_i32 = arith.constant 0 : i32
    %c0_i32_0 = arith.constant 0 : i32
    %c0_i32_1 = arith.constant 0 : i32
    return %c0_i32, %c0_i32_0 : i32, i32
  }
  func.func @transform_2(%arg0: i32) -> (i32, i32) {
    %c0_i32 = arith.constant 0 : i32
    %c0_i32_0 = arith.constant 0 : i32
    return %arg0, %c0_i32 : i32, i32
  }
}

</mosaic_0001>

<sc_bundles>
// kernel: kernel.4.cloned.1.call-start
scs
__scs_entry_jumppad:
0x0: {  	(pc) =	sbr.rel $0x88, $3  }
0x1: {  	(tag) =	ssettag $0x0;
	lr =	simm.s32 $0x1  }
0x2: {  	[smem:$0x3F9E] =	sst lr;
	_ =	strace $0xD0000000  }
0x3: {  	_ = 	snop  }
0x4: {  	_ = 	snop  }
0x5: {  	_ = 	snop  }
0x6: {  	_ = 	snop  }
0x7: {  	_ = 	snop  }
__scs_overlays_trampoline_lowered:
0x8: {  	[smem:$0x3FAD] =	sst s0  }
0x9: {  	[smem:$0x3FAE] =	sst s1  }
0xa: {  	[smem:$0x3FAF] =	sst s2  }
0xb: {  	[smem:$0x3FB0] =	sst s3  }
0xc: {  	[smem:$0x3FB1] =	sst s4  }
0xd: {  	[smem:$0x3FB2] =	sst s5  }
0xe: {  	[smem:$0x3FB3] =	sst s6  }
0xf: {  	[smem:$0x3FB4] =	sst s7  }
0x10: {  	[smem:$0x3FB5] =	sst s8  }
0x11: {  	[smem:$0x3FB6] =	sst s9;
	s0 =	simm.s32 @!p0 $0x0  }
0x12: {  	s1 =	sld [smem:$0x3F9C];
	s0 =	simm.s32 @p0 $0x1  }
0x13: {  	[smem:$0x3FB7] =	sst s0;
	s0 =	simm.s32 @!p1 $0x0  }
0x14: {  	s2 =	sld [smem:$0x3F9B];
	s0 =	simm.s32 @p1 $0x1  }
0x15: {  	[smem:$0x3FB8] =	sst s0;
	s0 =	simm.s32 @!p2 $0x0  }
0x16: {  	s3 =	sld [smem:$0x3FDB];
	s0 =	simm.s32 @p2 $0x1  }
0x17: {  	s4 =	simm.s32 $0x1BF5;
	[smem:$0x3FBA] =	sst s0  }
0x18: {  	s0 =	sld [smem:$0x3F9D];
	_ =	swait.ge [sflag:s4], $0x0  }
0x19: {  	s7 =	sld [smem:$0x3F9E]  }
0x1a: {  	s8 =	sadd.s32 $0xFFFFE003, lr  }
0x1b: {  	s9 =	sadd.s32 $0xFFFFFEF7, lr;
	s5 =	simm.s32 $0xFFFFFFFF;
	p2 =	slt.u32 s8, $0xFFFFF086  }
0x1c: {  	p1 =	slt.u32 s9, $0xF7A;
	s5 =	simm.s32 @!p2 $0x0  }
0x1d: {  	s5 =	simm.s32 @p1 $0x1;
	p0 =	seq.s32 s7, s2  }
0x1e: {  	s7 =	smul.u32 @!p0 $0xF7A, s2;
	p2 =	seq.s32 @!p0 s5, $0x0  }
0x1f: {  	s9 =	smul.u32 $0xF7A, s1;
	s8 =	simm.s32 @!p0 $0x1BF5;
	p2 =	por !p2, p0  }
0x20: {  	[sflag:s8] =	ssyncset.s32 @!p0 $0xFFFFF086;
	s6 =	sadd.s32 @!p0 s3, s7;
	s7 =	simm.s32 @!p0 $0x108  }
0x21: {  	s3 =	sadd.s32 s3, s9;
	s6 =	sadd.s32 @!p0 $0x88, s6;
	s7 =	simm.s32 @p2 $0x1082  }
0x22: {  	[simem:s7], [sflag:s8] =	dma.local @!p0 [hbm:s6], $0xF7A  }
0x23: {  	s9 =	sor.u32 $0xD0000000, s2;
	s6 =	simm.s32 $0x108;
	_ =	swait.ge @!p0 [sflag:s8], $0x0  }
0x24: {  	s3 =	sadd.s32 $0x88, s3;
	s6 =	simm.s32 @!p1 $0x1082;
	[sflag:s4] =	ssyncset.s32 $0xFFFFF086  }
0x25: {  	[simem:s6], [sflag:s4] =	dma.local [hbm:s3], $0xF7A  }
0x26: {  	[smem:$0x3F9E] =	sst s1;
	(tag) =	ssettag s2;
	_ =	strace s9  }
0x27: {  	s1 =	sld [smem:$0x3FAE]  }
0x28: {  	s2 =	sld [smem:$0x3FAF]  }
0x29: {  	s4 =	sld [smem:$0x3FB1]  }
0x2a: {  	p0 =	seq.s32 s5, $0x0;
	s5 =	sld [smem:$0x3FB2]  }
0x2b: {  	s6 =	sld [smem:$0x3FB3]  }
0x2c: {  	s7 =	sld [smem:$0x3FB4]  }
0x2d: {  	s3 =	simm.s32 $0x108;
	s8 =	sld [smem:$0x3FB5]  }
0x2e: {  	s3 =	simm.s32 @!p0 $0x1082;
	s9 =	sld [smem:$0x3FB6]  }
0x2f: {  	lr =	sadd.s32 s0, s3;
	s0 =	sld [smem:$0x3FAD]  }
0x30: {  	s3 =	sld [smem:$0x3FB0]  }
0x31: {  	[smem:$0x3FB9] =	sst s10  }
0x32: {  	s10 =	sld [smem:$0x3FB7];
	_ =	sdelay $0x3  }
0x33: {  	p0 =	seq.s32 s10, $0x1;
	s10 =	sld [smem:$0x3FB9];
	_ =	sdelay $0x3  }
0x34: {  	[smem:$0x3FB9] =	sst s10  }
0x35: {  	s10 =	sld [smem:$0x3FB8];
	_ =	sdelay $0x3  }
0x36: {  	p1 =	seq.s32 s10, $0x1;
	s10 =	sld [smem:$0x3FB9];
	_ =	sdelay $0x3  }
0x37: {  	[smem:$0x3FB9] =	sst s10  }
0x38: {  	s10 =	sld [smem:$0x3FBA]  }
0x39: {  	_ = 	snop;
	(pc) =	sbr.ind lr, $3  }
0x3a: {  	_ = 	snop  }
0x3b: {  	_ = 	snop  }
0x3c: {  	p2 =	seq.s32 s10, $0x1;
	s10 =	sld [smem:$0x3FB9]  }
0x3d: {  	_ =	shalt  }
0x3e: {  	_ =	shalt  }
0x3f: {  	_ =	shalt  }
0x40: {  	_ =	shalt  }
0x41: {  	_ =	shalt  }
0x42: {  	_ =	shalt  }
0x43: {  	_ =	shalt  }
0x44: {  	_ =	shalt  }
0x45: {  	_ =	shalt  }
0x46: {  	_ =	shalt  }
0x47: {  	_ =	shalt  }
0x48: {  	_ =	shalt  }
0x49: {  	_ =	shalt  }
0x4a: {  	_ =	shalt  }
0x4b: {  	_ =	shalt  }
0x4c: {  	_ =	shalt  }
0x4d: {  	_ =	shalt  }
0x4e: {  	_ =	shalt  }
0x4f: {  	_ =	shalt  }
0x50: {  	_ =	shalt  }
0x51: {  	_ =	shalt  }
0x52: {  	_ =	shalt  }
0x53: {  	_ =	shalt  }
0x54: {  	_ =	shalt  }
0x55: {  	_ =	shalt  }
0x56: {  	_ =	shalt  }
0x57: {  	_ =	shalt  }
0x58: {  	_ =	shalt  }
0x59: {  	_ =	shalt  }
0x5a: {  	_ =	shalt  }
0x5b: {  	_ =	shalt  }
0x5c: {  	_ =	shalt  }
0x5d: {  	_ =	shalt  }
0x5e: {  	_ =	shalt  }
0x5f: {  	_ =	shalt  }
0x60: {  	_ =	shalt  }
0x61: {  	_ =	shalt  }
0x62: {  	_ =	shalt  }
0x63: {  	_ =	shalt  }
0x64: {  	_ =	shalt  }
0x65: {  	_ =	shalt  }
0x66: {  	_ =	shalt  }
0x67: {  	_ =	shalt  }
0x68: {  	_ =	shalt  }
0x69: {  	_ =	shalt  }
0x6a: {  	_ =	shalt  }
0x6b: {  	_ =	shalt  }
0x6c: {  	_ =	shalt  }
0x6d: {  	_ =	shalt  }
0x6e: {  	_ =	shalt  }
0x6f: {  	_ =	shalt  }
0x70: {  	_ =	shalt  }
0x71: {  	_ =	shalt  }
0x72: {  	_ =	shalt  }
0x73: {  	_ =	shalt  }
0x74: {  	_ =	shalt  }
0x75: {  	_ =	shalt  }
0x76: {  	_ =	shalt  }
0x77: {  	_ =	shalt  }
0x78: {  	_ =	shalt  }
0x79: {  	_ =	shalt  }
0x7a: {  	_ =	shalt  }
0x7b: {  	_ =	shalt  }
0x7c: {  	_ =	shalt  }
0x7d: {  	_ =	shalt  }
0x7e: {  	_ =	shalt  }
0x7f: {  	_ =	shalt  }
0x80: {  	_ =	shalt  }
0x81: {  	_ =	shalt  }
0x82: {  	_ =	shalt  }
0x83: {  	_ =	shalt  }
0x84: {  	_ =	shalt  }
0x85: {  	_ =	shalt  }
0x86: {  	_ =	shalt  }
0x87: {  	_ =	shalt  }
.Lfunc_end0:
.L_simem_size_0:
called_computation_lowered:
.L_overlay_start_0:
0x88: {  	s2 =	sld [smem:$0x3FD9]  }
0x89: {  	s3 =	sld [smem:$0x3FFE];
	_ =	sdelay $0x1  }
0x8a: {  	s1 =	srdreg.scid  }
0x8b: {  	s0 =	sand.u32 $0x1, s1  }
0x8c: {  	s17 =	sshll.u32 s0, $0xA;
	s2 =	sadd.s32 s3, s2  }
0x8d: {  	s2 =	sadd.s32 s2, s17  }
0x8e: {  	[smem:$0x3FC5] =	sst s2  }
0x8f: {  	_ = 	snop  }
0x90: {  	s2 =	sld [smem:$0x3FC9]  }
0x91: {  	s18 =	sld [smem:$0x3FD0];
	(tm) =	ssettm $0x1  }
0x92: {  	s4 =	sld [smem:$0x3FFB];
	_ =	sdelay $0x3  }
0x93: {  	_ =	strace s4  }
0x94: {  	s4 =	sld [smem:$0x3FFC];
	_ =	sdelay $0x3  }
0x95: {  	_ =	strace s4  }
0x96: {  	s4 =	sld [smem:$0x3FFD];
	_ =	sdelay $0x3  }
0x97: {  	_ =	strace s4  }
0x98: {  	_ =	strace $0x8FFFFFFF  }
0x99: {  	s19 =	sld [smem:$0x3FDB];
	_ =	sdelay $0x1  }
0x9a: {  	s5 =	simm.s32 $_scs_section_size  }
0x9b: {  	s6 =	simm.s32 $_size__tile_overlayer_lowered;
	s7 =	simm.s32 $_tile_overlayer_lowered  }
0x9c: {  	s22 =	simm.s32 $0x1BFF;
	s21 =	sshll.u32 s7, $0x1;
	s4 =	sadd.s32 s5, s19  }
0x9d: {  	s8 =	simm.s32 $0x0;
	s20 =	sshll.u32 s6, $0x1;
	s6 =	sadd.s32 s21, s4  }
0x9e: {  	[timem:s8], [sflag:s22] =	dma.local [hbm:s6], s20  }
0x9f: {  	_ =	swait.ge [sflag:s22], s20  }
0xa0: {  	s5 =	ssub.s32 $0x0, s20;
	[sflag:s22] =	ssyncset.done $0x0  }
0xa1: {  	[sflag:s22] =	ssyncadd.s32 s5;
	_ =	sdelay $0x1  }
0xa2: {  	s23 =	simm.s32 $0x1B8B  }
0xa3: {  	_ =	swait.ge [sflag:s23], $0x1  }
0xa4: {  	[sflag:s23] =	ssyncset.done $0x0  }
0xa5: {  	s25 =	simm.s32 $0x1B8E;
	s24 =	sld [smem:$0x3FFE];
	[sflag:s23] =	ssyncadd.s32 $0xFFFFFFFF  }
0xa6: {  	s26 =	simm.s32 $execute0_lowered;
	[smem:$0x3FD2] =	sst s25  }
0xa7: {  	s6 =	sshll.u32 s26, $0x1;
	_ =	strace $0x80000046;
	[dreg:$0x1] =	wrdreg $0xFFFFFFFF  }
0xa8: {  	s28 =	simm.s32 $_size_execute0_lowered;
	s4 =	sadd.s32 s4, s6;
	[dreg:$0x0] =	wrdreg $0x0  }
0xa9: {  	s6 =	sshll.u32 s28, $0x1;
	[dreg:$0x2] =	wrdreg s4  }
0xaa: {  	[dreg:$0x3] =	wrdreg s6  }
0xab: {  	[dreg:$0x4] =	wrdreg $0xC0  }
0xac: {  	_ =	task [dreg:s8], $0x5FFFF  }
0xad: {  	[dreg:$0x1] =	wrdreg $0xFFFFFFFF  }
0xae: {  	[dreg:$0x0] =	wrdreg $0x60  }
0xaf: {  	[dreg:$0x2] =	wrdreg s2  }
0xb0: {  	[dreg:$0x3] =	wrdreg s24  }
0xb1: {  	[dreg:$0x4] =	wrdreg s18  }
0xb2: {  	[dreg:$0x5] =	wrdreg $0x9  }
0xb3: {  	_ =	task.clear_ibuf [dreg:s8], $0x6FFFF;
	_ =	strace $0x90000046  }
0xb4: {  	s29 =	simm.s32 $0x9;
	_ =	strace $0x80000048  }
0xb5: {  	_ =	swait.ge [sflag:s29], $0x1  }
0xb6: {  	[sflag:s29] =	ssyncadd.s32 $0xFFFFFFFF  }
0xb7: {  	_ =	strace $0x90000048  }
0xb8: {  	_ =	sfence  }
0xb9: {  	s30 =	sld [smem:$0x0];
	_ =	sdelay $0x2  }
0xba: {  	s31 =	sshll.u32 s1, $0xD;
	s1 =	sshrl.u32 s1, $0x2  }
0xbb: {  	s3 =	sand.u32 $0x4000, s31;
	s1 =	sadd.s32 s1, s30  }
0xbc: {  	s0 =	sor.u32 s3, s0;
	s1 =	sshll.u32 s1, $0x11  }
0xbd: {  	s0 =	sor.u32 s1, s0  }
0xbe: {  	s0 =	sadd.s32 $0x8F2B, s0  }
0xbf: {  	[sflag:s0] =	ssyncadd.remote.s32 $0x1  }
0xc0: {  	_ =	sfence.sel $0xFFFF  }
0xc1: {  	[dreg:$0x0] =	wrdreg $0xFFFFFFFF;
	(pc) =	sbr.abs _section_cstart, $3  }
0xc2: {  	[dreg:$0x1] =	wrdreg $0xFFFFFFFF  }
0xc3: {  	_ =	task.clear_ibuf [dreg:s8], $0x2FFFF;
	_ =	strace $0x9FFFFFFF  }
0xc4: {  	(tm) =	ssettm $0x7FFFFFFF  }
0xc5: {  	_ =	shalt  }
tec
execute0_lowered:
.L_overlay_start_1:
0x0: {  	(tag) =	ssettag $0x1  }
0x1: {  	s0 =	rddreg [dreg:$0x0]  }
0x2: {  	s1 =	rddreg [dreg:$0x1];
	s2 =	simm.s32 $0x0;
	s3 =	srdreg.scid  }
0x3: {  	s9 =	stileid.u32;
	s18 =	simm.s32 $0xF;
	s19 =	simm.s32 $0x80  }
0x4: {  	s20 =	simm.s32 $0x1C00;
	s15 =	simm.s32 $0xA;
	s16 =	simm.s32 $0xB  }
0x5: {  	s17 =	simm.s32 $0xC;
	s21 =	simm.s32 $0xD;
	[smem:$0x7FF] =	sst s2  }
0x6: {  	s3 =	sand.u32 $0x1, s3;
	s8 =	sshll.u32 s9, $0x7;
	s4 =	sadd.s32 $0x600, s1  }
0x7: {  	s25 =	sshll.u32 s9, $0xE;
	s5 =	ssub.s32 $0x2, s3;
	s7 =	sshll.u32 s3, $0xB  }
0x8: {  	_ =	strace $0x80000047;
	s6 =	sshrl.u32 s5, $0x1;
	s23 =	sor.u32 s8, s7  }
0x9: {  	s24 =	sshll.u32 s3, $0x12;
	s22 =	ssub.s32 s5, s6;
	s5 =	sadd.s32 s0, s23  }
0xa: {  	s0 =	sor.u32 s25, s24;
	s23 =	simm.s32 $0x8;
	s24 =	simm.s32 $0x0  }
0xb: {  	[dreg:$0x4] =	wrdreg s5;
	s5 =	sadd.s32 $0x6000, s5;
	s1 =	smax.u32 s22, $0x1  }
0xc: {  	s26 =	sor.u32 $0x300000, s0;
	s3 =	sor.u32 $0x200000, s0;
	s28 =	sor.u32 $0x100000, s0  }
0xd: {  	s29 =	sor.u32 $0x280000, s0;
	s30 =	sor.u32 $0x180000, s0;
	s31 =	sor.u32 $0x80000, s0  }
0xe: {  	s14 =	sshrl.u32 s0, $0x3;
	s22 =	simm.s32 $0xE;
	[dreg:$0x5] =	wrdreg s5  }
0xf: {  	[dreg:$0x6] =	wrdreg s1;
	s8 =	sshrl.u32 s26, $0x3;
	s9 =	sshrl.u32 s3, $0x3  }
0x10: {  	s10 =	sshrl.u32 s28, $0x3;
	s11 =	sshrl.u32 s29, $0x3;
	s12 =	sshrl.u32 s30, $0x3  }
0x11: {  	s13 =	sshrl.u32 s31, $0x3;
	s3 =	simm.s32 $0x1;
	s1 =	simm.s32 $0x9  }
.LBB2_1:
0x12: {  	s0 =	rddreg [dreg:$0x4];
	s5 =	simm.s32 $0x400;
	s6 =	simm.s32 $0x8000  }
0x13: {  	[tilespmem:s2], [sflag:$0xF] =	stream.strided.gather [hbm4b:s0+s5], $0x1800, s6, s5, $0x38;
	[tilespmem:$0x1DC00] =	vst v63  }
0x14: {  	s25 =	rddreg [dreg:$0x5];
	s26 =	simm.s32 $0x1800  }
0x15: {  	[tilespmem:s26], [sflag:$0xF] =	stream.linear.gather [hbm4b:s25+s2], $0x100, $0x38;
	[tilespmem:$0x1DC00] =	vst v63  }
0x16: {  	_ =	swait.ge [sflag:s18], $0x1900  }
0x17: {  	[sflag:s18] =	ssyncset.done $0x0  }
0x18: {  	[sflag:s18] =	ssyncadd.s32 $0xFFFFE700  }
0x19: {  	[tilespmem:s20], [sflag:$0x1] =	stream.indirect.gather [hbm4b:s4+s19], $0x80, s2, s19, $0xb8;
	[tilespmem:$0x1DC00] =	vst v63  }
0x1a: {  	s29 =	simm.s32 $0x5C00  }
0x1b: {  	[tilespmem:s29], [sflag:$0x2] =	stream.indirect.gather [hbm4b:s4+s19], $0x80, s19, s19, $0xb8;
	[tilespmem:$0x1DC00] =	vst v63  }
0x1c: {  	s30 =	simm.s32 $0x100;
	s31 =	simm.s32 $0x9C00  }
0x1d: {  	[tilespmem:s31], [sflag:$0x3] =	stream.indirect.gather [hbm4b:s4+s19], $0x80, s30, s19, $0xb8;
	[tilespmem:$0x1DC00] =	vst v63  }
0x1e: {  	s5 =	simm.s32 $0x180;
	s6 =	simm.s32 $0xDC00  }
0x1f: {  	[tilespmem:s6], [sflag:$0x4] =	stream.indirect.gather [hbm4b:s4+s19], $0x80, s5, s19, $0xb8;
	[tilespmem:$0x1DC00] =	vst v63  }
0x20: {  	s7 =	simm.s32 $0x200;
	s28 =	simm.s32 $0x0;
	s25 =	simm.s32 $0x11C00  }
0x21: {  	[tilespmem:s25], [sflag:$0x5] =	stream.indirect.gather [hbm4b:s4+s19], $0x80, s7, s19, $0xb8;
	[tilespmem:$0x1DC00] =	vst v63  }
0x22: {  	s26 =	simm.s32 $0x280;
	s29 =	simm.s32 $0x15C00;
	s30 =	simm.s32 $0x300  }
0x23: {  	[tilespmem:s29], [sflag:$0x6] =	stream.indirect.gather [hbm4b:s4+s19], $0x80, s26, s19, $0xb8;
	[tilespmem:$0x1DC00] =	vst v63  }
0x24: {  	s31 =	simm.s32 $0x19C00;
	s25 =	rddreg [dreg:$0x2];
	s26 =	simm.s32 $0x0  }
0x25: {  	[tilespmem:s31], [sflag:$0x7] =	stream.indirect.gather [hbm4b:s4+s19], $0x80, s30, s19, $0xb8;
	[tilespmem:$0x1DC00] =	vst v63  }
.LBB2_2:
0x26: {  	_ =	swait.ge [sflag:s3], $0x4000  }
0x27: {  	[sflag:s3] =	ssyncset.done $0x0  }
0x28: {  	s0 =	sadd.s32 s25, s14;
	p0 =	seq.s32 s26, $0x6200;
	[sflag:s3] =	ssyncadd.s32 $0xFFFFC000  }
0x29: {  	[hbm4b:s0+s2] =	stream.linear.scatter [tilespmem:s20], [sflag:$0x8], $0x4000, $0x38;
	[tilespmem:$0x1DC00] =	vst v63  }
0x2a: {  	s0 =	simm.s32 @!p0 $0x8  }
0x2b: {  	_ =	swait.ge @!p0 [sflag:s0], $0x4000  }
0x2c: {  	[sflag:s0] =	ssyncset.done @!p0 $0x0  }
0x2d: {  	[sflag:s0] =	ssyncadd.s32 @!p0 $0xFFFFC000;
	s0 =	sshra.s32 @!p0 s26, $0x2  }
0x2e: {  	s6 =	simm.s32 @!p0 $0x80;
	s29 =	simm.s32 @!p0 $0x1C00;
	s0 =	sadd.s32 @!p0 $0x380, s0  }
0x2f: {  	[tilespmem:s29], [sflag:$0x1] =	stream.indirect.gather @!p0 [hbm4b:s4+s6], $0x80, s0, s6, $0xb8;
	[tilespmem:$0x1DC00] =	vst v63  }
0x30: {  	s0 =	simm.s32 @!p0 $0x2  }
0x31: {  	p1 =	sgt.u32 @!p0 s28, $0x5;
	_ =	swait.ge @!p0 [sflag:s0], $0x4000  }
0x32: {  	s31 =	simm.s32 @!p0 $0x0;
	p2 =	por !p1, p0;
	[sflag:s0] =	ssyncset.done @!p0 $0x0  }
0x33: {  	s6 =	simm.s32 @!p0 $0x5C00;
	[sflag:s0] =	ssyncadd.s32 @!p0 $0xFFFFC000;
	s0 =	sadd.s32 @!p0 s25, s13  }
0x34: {  	[hbm4b:s0+s31] =	stream.linear.scatter @!p0 [tilespmem:s6], [sflag:$0x9], $0x4000, $0x38;
	[tilespmem:$0x1DC00] =	vst v63  }
0x35: {  	s0 =	simm.s32 @!p2 $0x3  }
0x36: {  	_ =	swait.ge @!p2 [sflag:s0], $0x4000  }
0x37: {  	p1 =	por p1, p0;
	s29 =	simm.s32 @!p2 $0x9C00;
	[sflag:s0] =	ssyncset.done @!p2 $0x0  }
0x38: {  	s6 =	sadd.s32 @!p2 s25, s10;
	[sflag:s0] =	ssyncadd.s32 @!p2 $0xFFFFC000;
	s0 =	simm.s32 @!p2 $0x0  }
0x39: {  	[hbm4b:s6+s0] =	stream.linear.scatter @!p2 [tilespmem:s29], [sflag:$0xA], $0x4000, $0x38;
	[tilespmem:$0x1DC00] =	vst v63  }
0x3a: {  	s6 =	simm.s32 @!p1 $0x9  }
0x3b: {  	_ =	swait.ge @!p1 [sflag:s6], $0x4000  }
0x3c: {  	s30 =	simm.s32 @!p1 $0x80;
	s29 =	sshra.s32 @!p1 s26, $0x2;
	[sflag:s6] =	ssyncset.done @!p1 $0x0  }
0x3d: {  	s7 =	simm.s32 @!p1 $0x5C00;
	[sflag:s6] =	ssyncadd.s32 @!p1 $0xFFFFC000;
	s6 =	sadd.s32 @!p1 $0x400, s29  }
0x3e: {  	[tilespmem:s7], [sflag:$0x2] =	stream.indirect.gather @!p1 [hbm4b:s4+s30], $0x80, s6, s30, $0xb8;
	[tilespmem:$0x1DC00] =	vst v63  }
0x3f: {  	s6 =	simm.s32 @!p1 $0x3  }
0x40: {  	_ =	swait.ge @!p1 [sflag:s6], $0x4000  }
0x41: {  	s5 =	simm.s32 @!p1 $0x9C00;
	[sflag:s6] =	ssyncset.done @!p1 $0x0  }
0x42: {  	s7 =	sadd.s32 @!p1 s25, s10;
	[sflag:s6] =	ssyncadd.s32 @!p1 $0xFFFFC000;
	s6 =	simm.s32 @!p1 $0x0  }
0x43: {  	[hbm4b:s7+s6] =	stream.linear.scatter @!p1 [tilespmem:s5], [sflag:$0xA], $0x4000, $0x38;
	[tilespmem:$0x1DC00] =	vst v63  }
0x44: {  	s7 =	simm.s32 @!p1 $0xA  }
0x45: {  	_ =	swait.ge @!p1 [sflag:s7], $0x4000  }
0x46: {  	[sflag:s7] =	ssyncset.done @!p1 $0x0  }
0x47: {  	[sflag:s7] =	ssyncadd.s32 @!p1 $0xFFFFC000;
	s7 =	sadd.s32 @!p1 $0x480, s29  }
0x48: {  	[tilespmem:s5], [sflag:$0x3] =	stream.indirect.gather @!p1 [hbm4b:s4+s30], $0x80, s7, s30, $0xb8;
	[tilespmem:$0x1DC00] =	vst v63  }
0x49: {  	s5 =	simm.s32 @!p0 $0x4  }
0x4a: {  	_ =	swait.ge @!p0 [sflag:s5], $0x4000  }
0x4b: {  	[sflag:s5] =	ssyncset.done @!p0 $0x0  }
0x4c: {  	s7 =	simm.s32 @!p0 $0xDC00;
	[sflag:s5] =	ssyncadd.s32 @!p0 $0xFFFFC000;
	s5 =	sadd.s32 @!p0 s25, s12  }
0x4d: {  	[hbm4b:s5+s31] =	stream.linear.scatter @!p0 [tilespmem:s7], [sflag:$0xB], $0x4000, $0x38;
	[tilespmem:$0x1DC00] =	vst v63  }
0x4e: {  	s5 =	simm.s32 @!p2 $0x5  }
0x4f: {  	_ =	swait.ge @!p2 [sflag:s5], $0x4000  }
0x50: {  	[sflag:s5] =	ssyncset.done @!p2 $0x0  }
0x51: {  	s7 =	simm.s32 @!p2 $0x11C00;
	[sflag:s5] =	ssyncadd.s32 @!p2 $0xFFFFC000;
	s5 =	sadd.s32 @!p2 s25, s9  }
0x52: {  	[hbm4b:s5+s0] =	stream.linear.scatter @!p2 [tilespmem:s7], [sflag:$0xC], $0x4000, $0x38;
	[tilespmem:$0x1DC00] =	vst v63  }
0x53: {  	s5 =	simm.s32 @!p1 $0xB  }
0x54: {  	_ =	swait.ge @!p1 [sflag:s5], $0x4000  }
0x55: {  	[sflag:s5] =	ssyncset.done @!p1 $0x0  }
0x56: {  	s7 =	simm.s32 @!p1 $0xDC00;
	[sflag:s5] =	ssyncadd.s32 @!p1 $0xFFFFC000;
	s5 =	sadd.s32 @!p1 $0x500, s29  }
0x57: {  	[tilespmem:s7], [sflag:$0x4] =	stream.indirect.gather @!p1 [hbm4b:s4+s30], $0x80, s5, s30, $0xb8;
	[tilespmem:$0x1DC00] =	vst v63  }
0x58: {  	s5 =	simm.s32 @!p1 $0x5  }
0x59: {  	_ =	swait.ge @!p1 [sflag:s5], $0x4000  }
0x5a: {  	[sflag:s5] =	ssyncset.done @!p1 $0x0  }
0x5b: {  	s7 =	simm.s32 @!p1 $0x11C00;
	[sflag:s5] =	ssyncadd.s32 @!p1 $0xFFFFC000;
	s5 =	sadd.s32 @!p1 s25, s9  }
0x5c: {  	[hbm4b:s5+s6] =	stream.linear.scatter @!p1 [tilespmem:s7], [sflag:$0xC], $0x4000, $0x38;
	[tilespmem:$0x1DC00] =	vst v63  }
0x5d: {  	s5 =	simm.s32 @!p1 $0xC  }
0x5e: {  	_ =	swait.ge @!p1 [sflag:s5], $0x4000  }
0x5f: {  	[sflag:s5] =	ssyncset.done @!p1 $0x0  }
0x60: {  	[sflag:s5] =	ssyncadd.s32 @!p1 $0xFFFFC000;
	s5 =	sadd.s32 @!p1 $0x580, s29  }
0x61: {  	[tilespmem:s7], [sflag:$0x5] =	stream.indirect.gather @!p1 [hbm4b:s4+s30], $0x80, s5, s30, $0xb8;
	[tilespmem:$0x1DC00] =	vst v63  }
0x62: {  	s5 =	simm.s32 @!p0 $0x6  }
0x63: {  	_ =	swait.ge @!p0 [sflag:s5], $0x4000  }
0x64: {  	[sflag:s5] =	ssyncset.done @!p0 $0x0  }
0x65: {  	s7 =	simm.s32 @!p0 $0x15C00;
	[sflag:s5] =	ssyncadd.s32 @!p0 $0xFFFFC000;
	s5 =	sadd.s32 @!p0 s25, s11  }
0x66: {  	[hbm4b:s5+s31] =	stream.linear.scatter @!p0 [tilespmem:s7], [sflag:$0xD], $0x4000, $0x38;
	[tilespmem:$0x1DC00] =	vst v63  }
0x67: {  	s5 =	simm.s32 @!p2 $0x7  }
0x68: {  	_ =	swait.ge @!p2 [sflag:s5], $0x4000  }
0x69: {  	[sflag:s5] =	ssyncset.done @!p2 $0x0  }
0x6a: {  	s7 =	simm.s32 @!p2 $0x19C00;
	[sflag:s5] =	ssyncadd.s32 @!p2 $0xFFFFC000;
	s5 =	sadd.s32 @!p2 s25, s8  }
0x6b: {  	[hbm4b:s5+s0] =	stream.linear.scatter @!p2 [tilespmem:s7], [sflag:$0xE], $0x4000, $0x38;
	[tilespmem:$0x1DC00] =	vst v63  }
0x6c: {  	s0 =	simm.s32 @!p1 $0xD  }
0x6d: {  	_ =	swait.ge @!p1 [sflag:s0], $0x4000  }
0x6e: {  	[sflag:s0] =	ssyncset.done @!p1 $0x0  }
0x6f: {  	s5 =	simm.s32 @!p1 $0x15C00;
	[sflag:s0] =	ssyncadd.s32 @!p1 $0xFFFFC000;
	s0 =	sadd.s32 @!p1 $0x600, s29  }
0x70: {  	[tilespmem:s5], [sflag:$0x6] =	stream.indirect.gather @!p1 [hbm4b:s4+s30], $0x80, s0, s30, $0xb8;
	[tilespmem:$0x1DC00] =	vst v63  }
0x71: {  	s0 =	simm.s32 @!p1 $0x7  }
0x72: {  	_ =	swait.ge @!p1 [sflag:s0], $0x4000  }
0x73: {  	[sflag:s0] =	ssyncset.done @!p1 $0x0  }
0x74: {  	s5 =	simm.s32 @!p1 $0x19C00;
	[sflag:s0] =	ssyncadd.s32 @!p1 $0xFFFFC000;
	s0 =	sadd.s32 @!p1 s25, s8  }
0x75: {  	[hbm4b:s0+s6] =	stream.linear.scatter @!p1 [tilespmem:s5], [sflag:$0xE], $0x4000, $0x38;
	[tilespmem:$0x1DC00] =	vst v63  }
0x76: {  	s0 =	simm.s32 @!p1 $0xE  }
0x77: {  	_ =	swait.ge @!p1 [sflag:s0], $0x4000  }
0x78: {  	[sflag:s0] =	ssyncset.done @!p1 $0x0  }
0x79: {  	s26 =	sadd.s32 @!p0 $0xE00, s26;
	[sflag:s0] =	ssyncadd.s32 @!p1 $0xFFFFC000;
	s0 =	sadd.s32 @!p1 $0x680, s29  }
0x7a: {  	[tilespmem:s5], [sflag:$0x7] =	stream.indirect.gather @!p1 [hbm4b:s4+s30], $0x80, s0, s30, $0xb8;
	[tilespmem:$0x1DC00] =	vst v63  }
0x7b: {  	p1 =	sne.s32 @!p0 s26, $0x7000  }
0x7c: {  	p1 =	por p0, !p1  }
.Ltmp0:
0x7d: {  	_ = 	snop;
	(pc) =	sbr.rel @!p1 .LBB2_2-.Ltmp0, $2  }
0x7e: {  	_ =	sdelay $0x2  }
0x7f: {  	s28 =	sadd.s32 @!p0 $0x1, s28;
	s25 =	sadd.s32 @!p0 $0x70000, s25  }
0x80: {  	_ =	swait.ge [sflag:s1], $0x4000  }
0x81: {  	[sflag:s1] =	ssyncset.done $0x0  }
0x82: {  	[sflag:s1] =	ssyncadd.s32 $0xFFFFC000  }
0x83: {  	_ =	swait.ge [sflag:s15], $0x4000  }
0x84: {  	[sflag:s15] =	ssyncset.done $0x0  }
0x85: {  	[sflag:s15] =	ssyncadd.s32 $0xFFFFC000  }
0x86: {  	_ =	swait.ge [sflag:s16], $0x4000  }
0x87: {  	[sflag:s16] =	ssyncset.done $0x0  }
0x88: {  	[sflag:s16] =	ssyncadd.s32 $0xFFFFC000  }
0x89: {  	_ =	swait.ge [sflag:s17], $0x4000  }
0x8a: {  	[sflag:s17] =	ssyncset.done $0x0  }
0x8b: {  	[sflag:s17] =	ssyncadd.s32 $0xFFFFC000  }
0x8c: {  	_ =	swait.ge [sflag:s21], $0x4000  }
0x8d: {  	[sflag:s21] =	ssyncset.done $0x0  }
0x8e: {  	[sflag:s21] =	ssyncadd.s32 $0xFFFFC000  }
0x8f: {  	_ =	swait.ge [sflag:s22], $0x4000  }
0x90: {  	[sflag:s22] =	ssyncset.done $0x0  }
0x91: {  	[sflag:s22] =	ssyncadd.s32 $0xFFFFC000  }
0x92: {  	_ =	swait.ge [sflag:s23], $0x4000  }
0x93: {  	s24 =	sadd.s32 $0x1, s24;
	s0 =	rddreg [dreg:$0x6]  }
0x94: {  	p0 =	sne.s32 s24, s0  }
.Ltmp1:
0x95: {  	_ = 	snop;
	(pc) =	sbr.rel @p0 .LBB2_1-.Ltmp1, $3  }
0x96: {  	_ =	sdelay $0x1  }
0x97: {  	[sflag:s23] =	ssyncset.done $0x0  }
0x98: {  	[sflag:s23] =	ssyncadd.s32 $0xFFFFC000  }
0x99: {  	_ =	sfence.sel $0x180000  }
0x9a: {  	[bflag:$0x0] =	sbarrier.arrive $0xFFFF  }
0x9b: {  	_ =	strace $0x90000047  }
0x9c: {  	s0 =	stileid.u32;
	[bflag:$0x2] =	sbarrier.arrive $0xFFFF  }
0x9d: {  	p0 =	sne.s32 s0, $0x0;
	s0 =	rddreg [dreg:$0x3]  }
0x9e: {  	s0 =	sadd.s32 @!p0 $0x100000, s0  }
0x9f: {  	[sflag:s0] =	ssyncadd.tile.s32 @!p0 $0x1;
	_ =	shalt  }
.Lfunc_end2:
_tile_overlayer_lowered:
.L_overlay_start_2:
0xa0: {  	(tag) =	ssettag $0x2  }
0xa1: {  	s0 =	rddreg [dreg:$0x0];
	s2 =	stileid.u32  }
0xa2: {  	s1 =	rddreg [dreg:$0x1];
	p0 =	sne.s32 s2, $0x0  }
0xa3: {  	s3 =	rddreg [dreg:$0x2];
	[bflag:$0x3] =	sbarrier.arrive $0xFFFF;
	s2 =	simm.s32 @!p0 $0x1C0F  }
0xa4: {  	[timem:s3], [sflag:s2] =	dma.local @!p0 [hbm:s0], s1  }
0xa5: {  	s0 =	simm.s32 @!p0 $0xF  }
0xa6: {  	_ =	swait.ge @!p0 [sflag:s0], s1  }
0xa7: {  	s1 =	ssub.s32 @!p0 $0x0, s1;
	[sflag:s0] =	ssyncset.done @!p0 $0x0  }
0xa8: {  	[sflag:s0] =	ssyncadd.s32 @!p0 s1  }
0xa9: {  	[bflag:$0x3] =	sbarrier.arrive $0xFFFF  }
0xaa: {  	_ =	shalt  }

</sc_bundles>
